<compile_context>
chip_gen: v7x
topology: tpu7x:2x2x1
jax: 0.10.2.dev20260603
libtpu: 0.0.44.dev20260713+nightly
codegen_flags: <defaults>
</compile_context>

<pallas_src>
import jax
import jax.numpy as jnp
from jax import lax
from jax.experimental import pallas as pl
from jax.experimental.pallas import tpu as pltpu
from jax.experimental.pallas import tpu_sc as plsc

N_ROWS = 100_000
T_TRI = 1_000_000
L = 16
NC, NS = 2, 16
NW = NC * NS
CPT = 32_768
BLK = 2_048
GPB = BLK // L
NB = CPT // BLK
TAIL_TILE = 30
TAIL_START = 30 * CPT + 8 * BLK
TAIL_N = T_TRI - TAIL_START
HI_MASK = -65536


def _pack_table(embed):
    b16 = embed.astype(jnp.bfloat16)
    return jax.lax.bitcast_convert_type(
        jax.lax.bitcast_convert_type(b16, jnp.uint16), jnp.int32)


def _body(tab_hbm, trip_hbm, wt_hbm, ti_hbm, tj_hbm, tk_hbm,
          loss_hbm, viol_hbm,
          tab_v, ib0, ib1, jb0, jb1, kb0, kb1, wb0, wb1,
          tbi, tbj, tbk, st_l, st_v, sem0, sem1):
    c = lax.axis_index("c")
    s = lax.axis_index("s")
    w = s * NC + c
    base = w * CPT
    nb = jnp.clip((T_TRI - base) // BLK, 0, NB)

    def copies(b, ib, jb, kb, wb, sem):
        st = base + b * BLK
        return (
            pltpu.make_async_copy(
                trip_hbm.at[pl.ds(0, 1), pl.ds(st, BLK)], ib, sem),
            pltpu.make_async_copy(
                trip_hbm.at[pl.ds(1, 1), pl.ds(st, BLK)], jb, sem),
            pltpu.make_async_copy(
                trip_hbm.at[pl.ds(2, 1), pl.ds(st, BLK)], kb, sem),
            pltpu.make_async_copy(wt_hbm.at[pl.ds(st, BLK)], wb, sem),
        )

    def start_block(b, ib, jb, kb, wb, sem):
        for cp in copies(b, ib, jb, kb, wb, sem):
            cp.start()

    def wait_block(b, ib, jb, kb, wb, sem):
        for cp in copies(b, ib, jb, kb, wb, sem):
            cp.wait()

    @pl.when(nb > 0)
    def _prime():
        start_block(0, ib0, jb0, kb0, wb0, sem0)
        start_block(1, ib1, jb1, kb1, wb1, sem1)

    pltpu.sync_copy(tab_hbm, tab_v)

    def group(g, al_av, ib, jb, kb, wb):
        al, av = al_av
        ii = ib[0, pl.ds(g * L, L)]
        jj = jb[0, pl.ds(g * L, L)]
        kk = kb[0, pl.ds(g * L, L)]
        wi = plsc.load_gather(tab_v, [ii])
        wj = plsc.load_gather(tab_v, [jj])
        wk = plsc.load_gather(tab_v, [kk])
        xi = plsc.bitcast(wi << 16, jnp.float32)
        yi = plsc.bitcast(wi & HI_MASK, jnp.float32)
        xj = plsc.bitcast(wj << 16, jnp.float32)
        yj = plsc.bitcast(wj & HI_MASK, jnp.float32)
        xk = plsc.bitcast(wk << 16, jnp.float32)
        yk = plsc.bitcast(wk & HI_MASK, jnp.float32)
        dx1 = xi - xj
        dy1 = yi - yj
        dx2 = xi - xk
        dy2 = yi - yk
        dij = 1.0 + (dx1 * dx1 + dy1 * dy1)
        dik = 1.0 + (dx2 * dx2 + dy2 * dy2)
        ww = wb[pl.ds(g * L, L)]
        al = al + ww * dij / (dij + dik)
        av = av + jnp.where(dij > dik, 1.0, 0.0)
        return al, av

    def pair(i, al_av):
        b0 = 2 * i
        wait_block(b0, ib0, jb0, kb0, wb0, sem0)

        @pl.when(b0 + 2 < nb)
        def _():
            start_block(b0 + 2, ib0, jb0, kb0, wb0, sem0)

        al_av = lax.fori_loop(
            0, GPB, lambda g, cr: group(g, cr, ib0, jb0, kb0, wb0),
            al_av, unroll=4)
        wait_block(b0 + 1, ib1, jb1, kb1, wb1, sem1)

        @pl.when(b0 + 3 < nb)
        def _():
            start_block(b0 + 3, ib1, jb1, kb1, wb1, sem1)

        return lax.fori_loop(
            0, GPB, lambda g, cr: group(g, cr, ib1, jb1, kb1, wb1),
            al_av, unroll=4)

    zero = jnp.zeros((L,), jnp.float32)
    al, av = lax.fori_loop(0, nb // 2, pair, (zero, zero))
    st_l[...] = al
    st_v[...] = av

    @pl.when(w == TAIL_TILE)
    def _tail():
        pltpu.sync_copy(ti_hbm, tbi)
        pltpu.sync_copy(tj_hbm, tbj)
        pltpu.sync_copy(tk_hbm, tbk)
        pltpu.sync_copy(wt_hbm.at[pl.ds(TAIL_START, TAIL_N)],
                        wb0.at[pl.ds(0, TAIL_N)])
        tl, tv = lax.fori_loop(
            0, TAIL_N // L, lambda g, cr: group(g, cr, tbi, tbj, tbk, wb0),
            (st_l[...], st_v[...]))
        st_l[...] = tl
        st_v[...] = tv

    pltpu.sync_copy(st_l, loss_hbm.at[w])
    pltpu.sync_copy(st_v, viol_hbm.at[w])


def kernel(embed_init, triplets, weights):
    tab = _pack_table(embed_init)
    trip = triplets.astype(jnp.int32)
    trip_t = trip.T
    ti = trip[TAIL_START:, 0].reshape(1, TAIL_N)
    tj = trip[TAIL_START:, 1].reshape(1, TAIL_N)
    tk = trip[TAIL_START:, 2].reshape(1, TAIL_N)
    mesh = plsc.VectorSubcoreMesh(core_axis_name="c", subcore_axis_name="s",
                                  num_cores=NC, num_subcores=NS)
    blk_i32 = pltpu.VMEM((1, BLK), jnp.int32)
    blk_f32 = pltpu.VMEM((BLK,), jnp.float32)
    tail_i32 = pltpu.VMEM((1, TAIL_N), jnp.int32)
    fn = pl.kernel(
        _body,
        out_type=(jax.ShapeDtypeStruct((NW, L), jnp.float32),
                  jax.ShapeDtypeStruct((NW, L), jnp.float32)),
        mesh=mesh,
        compiler_params=pltpu.CompilerParams(needs_layout_passes=False),
        scratch_types=[
            pltpu.VMEM((N_ROWS,), jnp.int32),
            blk_i32, blk_i32, blk_i32, blk_i32, blk_i32, blk_i32,
            blk_f32, blk_f32,
            tail_i32, tail_i32, tail_i32,
            pltpu.VMEM((L,), jnp.float32),
            pltpu.VMEM((L,), jnp.float32),
            pltpu.SemaphoreType.DMA,
            pltpu.SemaphoreType.DMA,
        ],
    )
    loss_p, viol_p = fn(tab, trip_t, weights, ti, tj, tk)
    return jnp.sum(loss_p), jnp.sum(viol_p)

# --- scband reference (transcript-rebuilt; emitter-appended) ---
"""Pipeline reference for scband-tri-map-16372415332604 (READ-ONLY COPY).

The authoritative reference and input builder live on the scoring server;
editing this copy changes nothing except your own understanding.
"""

import jax, jax.numpy as jnp
import numpy as np

T_PARAM = 2

def log_t(l, t=2):
    return 1 - 1 / (1 + l) ** (t - 1)

def setup_inputs(seed: int = 0) -> dict:
    key = jax.random.key(seed)
    k1, k2, k3 = jax.random.split(key, 3)
    n, num_dims = 100000, 2
    T = 1000000
    embed_init = jax.random.normal(k1, (n, num_dims), dtype=jnp.float32)
    triplets = jax.random.randint(k2, (T, 3), 0, n, dtype=jnp.int64)
    weights = jax.random.uniform(k3, (T,), dtype=jnp.float32)
    return {"embed_init": embed_init, "triplets": triplets, "weights": weights}

def reference(embed_init, triplets, weights):
    Y = embed_init  # nn.Embedding weight initialized from embed_init
    y_i = jnp.take(Y, triplets[:, 0], axis=0)
    y_j = jnp.take(Y, triplets[:, 1], axis=0)
    y_k = jnp.take(Y, triplets[:, 2], axis=0)
    y_ij = y_i - y_j
    y_ik = y_i - y_k
    d_ij = 1 + jnp.sum(y_ij ** 2, axis=-1)
    d_ik = 1 + jnp.sum(y_ik ** 2, axis=-1)
    num_viol = jnp.sum((d_ij > d_ik).astype(jnp.float32))
    ratio = d_ij / d_ik
    loss = jnp.dot(weights, log_t(ratio, T_PARAM))
    return (loss, num_viol)

if __name__ == "__main__":
    import jax
    _d = setup_inputs()
    print(jax.jit(kernel)(*tuple(_d.values())))

</pallas_src>

<mosaic_0001>
#map = affine_map<(d0, d1) -> (0)>
#map1 = affine_map<(d0, d1) -> (0, 0)>
module attributes {stable_mosaic.version = 14 : i64} {
  func.func @_body(%arg0: i32, %arg1: i32, %arg2: memref<100000xi32, #tpu.memory_space<hbm>>, %arg3: memref<3x1000000xi32, #tpu.memory_space<hbm>>, %arg4: memref<1000000xf32, #tpu.memory_space<hbm>>, %arg5: memref<1x576xi32, #tpu.memory_space<hbm>>, %arg6: memref<1x576xi32, #tpu.memory_space<hbm>>, %arg7: memref<1x576xi32, #tpu.memory_space<hbm>>, %arg8: memref<32x16xf32, #tpu.memory_space<hbm>>, %arg9: memref<32x16xf32, #tpu.memory_space<hbm>>, %arg10: memref<100000xi32, #tpu.memory_space<vmem>>, %arg11: memref<1x2048xi32, #tpu.memory_space<vmem>>, %arg12: memref<1x2048xi32, #tpu.memory_space<vmem>>, %arg13: memref<1x2048xi32, #tpu.memory_space<vmem>>, %arg14: memref<1x2048xi32, #tpu.memory_space<vmem>>, %arg15: memref<1x2048xi32, #tpu.memory_space<vmem>>, %arg16: memref<1x2048xi32, #tpu.memory_space<vmem>>, %arg17: memref<2048xf32, #tpu.memory_space<vmem>>, %arg18: memref<2048xf32, #tpu.memory_space<vmem>>, %arg19: memref<1x576xi32, #tpu.memory_space<vmem>>, %arg20: memref<1x576xi32, #tpu.memory_space<vmem>>, %arg21: memref<1x576xi32, #tpu.memory_space<vmem>>, %arg22: memref<16xf32, #tpu.memory_space<vmem>>, %arg23: memref<16xf32, #tpu.memory_space<vmem>>, %arg24: memref<!tpu.dma_semaphore, #tpu.memory_space<semaphore_mem>>, %arg25: memref<!tpu.dma_semaphore, #tpu.memory_space<semaphore_mem>>) attributes {dimension_semantics = [#tpu.dimension_semantics<core_parallel>, #tpu.dimension_semantics<subcore_parallel>], iteration_bounds = array<i64: 2, 16>, scalar_prefetch = 0 : i64, scratch_operands = 16 : i64, tpu.core_type = #tpu.core_type<sc_vector_subcore>, window_params = [{transform_indices = #map}, {transform_indices = #map1}, {transform_indices = #map}, {transform_indices = #map1}, {transform_indices = #map1}, {transform_indices = #map1}, {transform_indices = #map1}, {transform_indices = #map1}]} {
    %mul3A = arith.constant 2 : i32
    %mul3A_0 = arith.muli %arg1, %mul3A : i32
    %add3A = arith.addi %mul3A_0, %arg0 : i32
    %mul3A_1 = arith.constant 32768 : i32
    %mul3A_2 = arith.muli %add3A, %mul3A_1 : i32
    %sub3A = arith.constant 1000000 : i32
    %sub3A_3 = arith.subi %sub3A, %mul3A_2 : i32
    %jit3A = arith.constant 2048 : i32
    %div3A = arith.divsi %sub3A_3, %jit3A : i32
    %sign3A = arith.constant 0 : i32
    %sign3A_4 = arith.cmpi sgt, %sub3A_3, %sign3A : i32
    %sign3A_5 = arith.extui %sign3A_4 : i1 to i32
    %sign3A_6 = arith.constant 0 : i32
    %sign3A_7 = arith.cmpi slt, %sub3A_3, %sign3A_6 : i32
    %sign3A_8 = arith.extui %sign3A_7 : i1 to i32
    %sign3A_9 = arith.subi %sign3A_5, %sign3A_8 : i32
    %sign3A_10 = arith.constant 0 : i32
    %sign3A_11 = arith.cmpi sgt, %jit3A, %sign3A_10 : i32
    %sign3A_12 = arith.extui %sign3A_11 : i1 to i32
    %sign3A_13 = arith.constant 0 : i32
    %sign3A_14 = arith.cmpi slt, %jit3A, %sign3A_13 : i32
    %sign3A_15 = arith.extui %sign3A_14 : i1 to i32
    %sign3A_16 = arith.subi %sign3A_12, %sign3A_15 : i32
    %ne3A = arith.cmpi ne, %sign3A_9, %sign3A_16 : i32
    %rem3A = arith.remsi %sub3A_3, %jit3A : i32
    %ne3A_17 = arith.constant 0 : i32
    %ne3A_18 = arith.cmpi ne, %rem3A, %ne3A_17 : i32
    %and3A = arith.andi %ne3A, %ne3A_18 : i1
    %sub3A_19 = arith.constant 1 : i32
    %sub3A_20 = arith.subi %div3A, %sub3A_19 : i32
    %select_n3A = arith.select %and3A, %sub3A_20, %div3A : i32
    %jit3A_21 = arith.constant 0 : i32
    %jit3A_22 = arith.constant 16 : i32
    %max3A = arith.maxsi %jit3A_21, %select_n3A : i32
    %min3A = arith.minsi %jit3A_22, %max3A : i32
    %gt3A = arith.constant 0 : i32
    %gt3A_23 = arith.cmpi sgt, %min3A, %gt3A : i32
    %convert_element_type3A = arith.extui %gt3A_23 : i1 to i32
    %cond3A = arith.constant 0 : i32
    %cond3A_24 = arith.cmpi ne, %convert_element_type3A, %cond3A : i32
    scf.if %cond3A_24 {
      %add3A_67 = arith.constant 0 : i32
      %add3A_68 = arith.addi %mul3A_2, %add3A_67 : i32
      %dma_start3A = arith.constant 0 : i32
      %dma_start3A_69 = tpu.memref_slice %arg3[%dma_start3A, %add3A_68] : memref<3x1000000xi32, #tpu.memory_space<hbm>> -> memref<1x2048xi32, #tpu.memory_space<hbm>>
      %dma_start3A_70 = arith.constant 0 : i32
      %dma_start3A_71 = tpu.memref_slice %arg3[%dma_start3A_70, %add3A_68] : memref<3x1000000xi32, #tpu.memory_space<hbm>> -> memref<1x2048xi32, #tpu.memory_space<hbm>>
      tpu.enqueue_dma source(%dma_start3A_71 : memref<1x2048xi32, #tpu.memory_space<hbm>>) target(%arg11 : memref<1x2048xi32, #tpu.memory_space<vmem>>) target_semaphore(%arg24 : memref<!tpu.dma_semaphore, #tpu.memory_space<semaphore_mem>>)
      %dma_start3A_72 = arith.constant 1 : i32
      %dma_start3A_73 = tpu.memref_slice %arg3[%dma_start3A_72, %add3A_68] : memref<3x1000000xi32, #tpu.memory_space<hbm>> -> memref<1x2048xi32, #tpu.memory_space<hbm>>
      %dma_start3A_74 = arith.constant 1 : i32
      %dma_start3A_75 = tpu.memref_slice %arg3[%dma_start3A_74, %add3A_68] : memref<3x1000000xi32, #tpu.memory_space<hbm>> -> memref<1x2048xi32, #tpu.memory_space<hbm>>
      tpu.enqueue_dma source(%dma_start3A_75 : memref<1x2048xi32, #tpu.memory_space<hbm>>) target(%arg13 : memref<1x2048xi32, #tpu.memory_space<vmem>>) target_semaphore(%arg24 : memref<!tpu.dma_semaphore, #tpu.memory_space<semaphore_mem>>)
      %dma_start3A_76 = arith.constant 2 : i32
      %dma_start3A_77 = tpu.memref_slice %arg3[%dma_start3A_76, %add3A_68] : memref<3x1000000xi32, #tpu.memory_space<hbm>> -> memref<1x2048xi32, #tpu.memory_space<hbm>>
      %dma_start3A_78 = arith.constant 2 : i32
      %dma_start3A_79 = tpu.memref_slice %arg3[%dma_start3A_78, %add3A_68] : memref<3x1000000xi32, #tpu.memory_space<hbm>> -> memref<1x2048xi32, #tpu.memory_space<hbm>>
      tpu.enqueue_dma source(%dma_start3A_79 : memref<1x2048xi32, #tpu.memory_space<hbm>>) target(%arg15 : memref<1x2048xi32, #tpu.memory_space<vmem>>) target_semaphore(%arg24 : memref<!tpu.dma_semaphore, #tpu.memory_space<semaphore_mem>>)
      %dma_start3A_80 = tpu.memref_slice %arg4[%add3A_68] : memref<1000000xf32, #tpu.memory_space<hbm>> -> memref<2048xf32, #tpu.memory_space<hbm>>
      %dma_start3A_81 = tpu.memref_slice %arg4[%add3A_68] : memref<1000000xf32, #tpu.memory_space<hbm>> -> memref<2048xf32, #tpu.memory_space<hbm>>
      tpu.enqueue_dma source(%dma_start3A_81 : memref<2048xf32, #tpu.memory_space<hbm>>) target(%arg17 : memref<2048xf32, #tpu.memory_space<vmem>>) target_semaphore(%arg24 : memref<!tpu.dma_semaphore, #tpu.memory_space<semaphore_mem>>)
      %add3A_82 = arith.constant 2048 : i32
      %add3A_83 = arith.addi %mul3A_2, %add3A_82 : i32
      %dma_start3A_84 = arith.constant 0 : i32
      %dma_start3A_85 = tpu.memref_slice %arg3[%dma_start3A_84, %add3A_83] : memref<3x1000000xi32, #tpu.memory_space<hbm>> -> memref<1x2048xi32, #tpu.memory_space<hbm>>
      %dma_start3A_86 = arith.constant 0 : i32
      %dma_start3A_87 = tpu.memref_slice %arg3[%dma_start3A_86, %add3A_83] : memref<3x1000000xi32, #tpu.memory_space<hbm>> -> memref<1x2048xi32, #tpu.memory_space<hbm>>
      tpu.enqueue_dma source(%dma_start3A_87 : memref<1x2048xi32, #tpu.memory_space<hbm>>) target(%arg12 : memref<1x2048xi32, #tpu.memory_space<vmem>>) target_semaphore(%arg25 : memref<!tpu.dma_semaphore, #tpu.memory_space<semaphore_mem>>)
      %dma_start3A_88 = arith.constant 1 : i32
      %dma_start3A_89 = tpu.memref_slice %arg3[%dma_start3A_88, %add3A_83] : memref<3x1000000xi32, #tpu.memory_space<hbm>> -> memref<1x2048xi32, #tpu.memory_space<hbm>>
      %dma_start3A_90 = arith.constant 1 : i32
      %dma_start3A_91 = tpu.memref_slice %arg3[%dma_start3A_90, %add3A_83] : memref<3x1000000xi32, #tpu.memory_space<hbm>> -> memref<1x2048xi32, #tpu.memory_space<hbm>>
      tpu.enqueue_dma source(%dma_start3A_91 : memref<1x2048xi32, #tpu.memory_space<hbm>>) target(%arg14 : memref<1x2048xi32, #tpu.memory_space<vmem>>) target_semaphore(%arg25 : memref<!tpu.dma_semaphore, #tpu.memory_space<semaphore_mem>>)
      %dma_start3A_92 = arith.constant 2 : i32
      %dma_start3A_93 = tpu.memref_slice %arg3[%dma_start3A_92, %add3A_83] : memref<3x1000000xi32, #tpu.memory_space<hbm>> -> memref<1x2048xi32, #tpu.memory_space<hbm>>
      %dma_start3A_94 = arith.constant 2 : i32
      %dma_start3A_95 = tpu.memref_slice %arg3[%dma_start3A_94, %add3A_83] : memref<3x1000000xi32, #tpu.memory_space<hbm>> -> memref<1x2048xi32, #tpu.memory_space<hbm>>
      tpu.enqueue_dma source(%dma_start3A_95 : memref<1x2048xi32, #tpu.memory_space<hbm>>) target(%arg16 : memref<1x2048xi32, #tpu.memory_space<vmem>>) target_semaphore(%arg25 : memref<!tpu.dma_semaphore, #tpu.memory_space<semaphore_mem>>)
      %dma_start3A_96 = tpu.memref_slice %arg4[%add3A_83] : memref<1000000xf32, #tpu.memory_space<hbm>> -> memref<2048xf32, #tpu.memory_space<hbm>>
      %dma_start3A_97 = tpu.memref_slice %arg4[%add3A_83] : memref<1000000xf32, #tpu.memory_space<hbm>> -> memref<2048xf32, #tpu.memory_space<hbm>>
      tpu.enqueue_dma source(%dma_start3A_97 : memref<2048xf32, #tpu.memory_space<hbm>>) target(%arg18 : memref<2048xf32, #tpu.memory_space<vmem>>) target_semaphore(%arg25 : memref<!tpu.dma_semaphore, #tpu.memory_space<semaphore_mem>>)
    } else {
    }
    "tpu.region"() ({
      %run_scoped3A = tpu.sem_alloc : memref<!tpu.dma_semaphore, #tpu.memory_space<semaphore_mem>>
      tpu.enqueue_dma source(%arg2 : memref<100000xi32, #tpu.memory_space<hbm>>) target(%arg10 : memref<100000xi32, #tpu.memory_space<vmem>>) target_semaphore(%run_scoped3A : memref<!tpu.dma_semaphore, #tpu.memory_space<semaphore_mem>>)
      tpu.wait_dma2 semaphore(%run_scoped3A : memref<!tpu.dma_semaphore, #tpu.memory_space<semaphore_mem>>) src(%arg2 : memref<100000xi32, #tpu.memory_space<hbm>>) dst(%arg10 : memref<100000xi32, #tpu.memory_space<vmem>>)
      tpu.yield
    }) : () -> ()
    %broadcast_in_dim3A = arith.constant 0.000000e+00 : f32
    %broadcast_in_dim3A_25 = vector.broadcast %broadcast_in_dim3A : f32 to vector<16xf32>
    %jit3A_26 = arith.constant 2 : i32
    %div3A_27 = arith.divsi %min3A, %jit3A_26 : i32
    %sign3A_28 = arith.constant 0 : i32
    %sign3A_29 = arith.cmpi sgt, %min3A, %sign3A_28 : i32
    %sign3A_30 = arith.extui %sign3A_29 : i1 to i32
    %sign3A_31 = arith.constant 0 : i32
    %sign3A_32 = arith.cmpi slt, %min3A, %sign3A_31 : i32
    %sign3A_33 = arith.extui %sign3A_32 : i1 to i32
    %sign3A_34 = arith.subi %sign3A_30, %sign3A_33 : i32
    %sign3A_35 = arith.constant 0 : i32
    %sign3A_36 = arith.cmpi sgt, %jit3A_26, %sign3A_35 : i32
    %sign3A_37 = arith.extui %sign3A_36 : i1 to i32
    %sign3A_38 = arith.constant 0 : i32
    %sign3A_39 = arith.cmpi slt, %jit3A_26, %sign3A_38 : i32
    %sign3A_40 = arith.extui %sign3A_39 : i1 to i32
    %sign3A_41 = arith.subi %sign3A_37, %sign3A_40 : i32
    %ne3A_42 = arith.cmpi ne, %sign3A_34, %sign3A_41 : i32
    %rem3A_43 = arith.remsi %min3A, %jit3A_26 : i32
    %ne3A_44 = arith.constant 0 : i32
    %ne3A_45 = arith.cmpi ne, %rem3A_43, %ne3A_44 : i32
    %and3A_46 = arith.andi %ne3A_42, %ne3A_45 : i1
    %sub3A_47 = arith.constant 1 : i32
    %sub3A_48 = arith.subi %div3A_27, %sub3A_47 : i32
    %select_n3A_49 = arith.select %and3A_46, %sub3A_48, %div3A_27 : i32
    %while3A = arith.constant 0 : i32
    %while3A_50 = arith.subi %select_n3A_49, %while3A : i32
    %while3A_51 = arith.addi %while3A, %while3A_50 : i32
    %while3A_52 = arith.constant 1 : i32
    %while3A_53 = arith.divsi %while3A_50, %while3A_52 : i32
    %while3A_54 = arith.muli %while3A_53, %while3A_52 : i32
    %while3A_55 = arith.addi %while3A, %while3A_54 : i32
    %while3A_56 = arith.constant 1 : i32
    %while3A_57:2 = scf.for %while3A_67 = %while3A to %while3A_55 step %while3A_56 iter_args(%while3A_68 = %broadcast_in_dim3A_25, %while3A_69 = %broadcast_in_dim3A_25) -> (vector<16xf32>, vector<16xf32>)  : i32 {
      %mul3A_70 = arith.constant 2 : i32
      %mul3A_71 = arith.muli %mul3A_70, %while3A_67 : i32
      %mul3A_72 = arith.constant 2048 : i32
      %mul3A_73 = arith.muli %mul3A_71, %mul3A_72 : i32
      %add3A_74 = arith.addi %mul3A_2, %mul3A_73 : i32
      %dma_wait3A = arith.constant 0 : i32
      %dma_wait3A_75 = tpu.memref_slice %arg3[%dma_wait3A, %add3A_74] : memref<3x1000000xi32, #tpu.memory_space<hbm>> -> memref<1x2048xi32, #tpu.memory_space<hbm>>
      %dma_wait3A_76 = arith.constant 0 : i32
      %dma_wait3A_77 = tpu.memref_slice %arg3[%dma_wait3A_76, %add3A_74] : memref<3x1000000xi32, #tpu.memory_space<hbm>> -> memref<1x2048xi32, #tpu.memory_space<hbm>>
      tpu.wait_dma2 semaphore(%arg24 : memref<!tpu.dma_semaphore, #tpu.memory_space<semaphore_mem>>) src(%dma_wait3A_77 : memref<1x2048xi32, #tpu.memory_space<hbm>>) dst(%arg11 : memref<1x2048xi32, #tpu.memory_space<vmem>>)
      %dma_wait3A_78 = arith.constant 1 : i32
      %dma_wait3A_79 = tpu.memref_slice %arg3[%dma_wait3A_78, %add3A_74] : memref<3x1000000xi32, #tpu.memory_space<hbm>> -> memref<1x2048xi32, #tpu.memory_space<hbm>>
      %dma_wait3A_80 = arith.constant 1 : i32
      %dma_wait3A_81 = tpu.memref_slice %arg3[%dma_wait3A_80, %add3A_74] : memref<3x1000000xi32, #tpu.memory_space<hbm>> -> memref<1x2048xi32, #tpu.memory_space<hbm>>
      tpu.wait_dma2 semaphore(%arg24 : memref<!tpu.dma_semaphore, #tpu.memory_space<semaphore_mem>>) src(%dma_wait3A_81 : memref<1x2048xi32, #tpu.memory_space<hbm>>) dst(%arg13 : memref<1x2048xi32, #tpu.memory_space<vmem>>)
      %dma_wait3A_82 = arith.constant 2 : i32
      %dma_wait3A_83 = tpu.memref_slice %arg3[%dma_wait3A_82, %add3A_74] : memref<3x1000000xi32, #tpu.memory_space<hbm>> -> memref<1x2048xi32, #tpu.memory_space<hbm>>
      %dma_wait3A_84 = arith.constant 2 : i32
      %dma_wait3A_85 = tpu.memref_slice %arg3[%dma_wait3A_84, %add3A_74] : memref<3x1000000xi32, #tpu.memory_space<hbm>> -> memref<1x2048xi32, #tpu.memory_space<hbm>>
      tpu.wait_dma2 semaphore(%arg24 : memref<!tpu.dma_semaphore, #tpu.memory_space<semaphore_mem>>) src(%dma_wait3A_85 : memref<1x2048xi32, #tpu.memory_space<hbm>>) dst(%arg15 : memref<1x2048xi32, #tpu.memory_space<vmem>>)
      %dma_wait3A_86 = tpu.memref_slice %arg4[%add3A_74] : memref<1000000xf32, #tpu.memory_space<hbm>> -> memref<2048xf32, #tpu.memory_space<hbm>>
      %dma_wait3A_87 = tpu.memref_slice %arg4[%add3A_74] : memref<1000000xf32, #tpu.memory_space<hbm>> -> memref<2048xf32, #tpu.memory_space<hbm>>
      tpu.wait_dma2 semaphore(%arg24 : memref<!tpu.dma_semaphore, #tpu.memory_space<semaphore_mem>>) src(%dma_wait3A_87 : memref<2048xf32, #tpu.memory_space<hbm>>) dst(%arg17 : memref<2048xf32, #tpu.memory_space<vmem>>)
      %add3A_88 = arith.constant 2 : i32
      %add3A_89 = arith.addi %mul3A_71, %add3A_88 : i32
      %lt3A = arith.cmpi slt, %add3A_89, %min3A : i32
      %convert_element_type3A_90 = arith.extui %lt3A : i1 to i32
      %cond3A_91 = arith.constant 0 : i32
      %cond3A_92 = arith.cmpi ne, %convert_element_type3A_90, %cond3A_91 : i32
      scf.if %cond3A_92 {
        %add3A_129 = arith.constant 2 : i32
        %add3A_130 = arith.addi %mul3A_71, %add3A_129 : i32
        %mul3A_131 = arith.constant 2048 : i32
        %mul3A_132 = arith.muli %add3A_130, %mul3A_131 : i32
        %add3A_133 = arith.addi %mul3A_2, %mul3A_132 : i32
        %dma_start3A = arith.constant 0 : i32
        %dma_start3A_134 = tpu.memref_slice %arg3[%dma_start3A, %add3A_133] : memref<3x1000000xi32, #tpu.memory_space<hbm>> -> memref<1x2048xi32, #tpu.memory_space<hbm>>
        %dma_start3A_135 = arith.constant 0 : i32
        %dma_start3A_136 = tpu.memref_slice %arg3[%dma_start3A_135, %add3A_133] : memref<3x1000000xi32, #tpu.memory_space<hbm>> -> memref<1x2048xi32, #tpu.memory_space<hbm>>
        tpu.enqueue_dma source(%dma_start3A_136 : memref<1x2048xi32, #tpu.memory_space<hbm>>) target(%arg11 : memref<1x2048xi32, #tpu.memory_space<vmem>>) target_semaphore(%arg24 : memref<!tpu.dma_semaphore, #tpu.memory_space<semaphore_mem>>)
        %dma_start3A_137 = arith.constant 1 : i32
        %dma_start3A_138 = tpu.memref_slice %arg3[%dma_start3A_137, %add3A_133] : memref<3x1000000xi32, #tpu.memory_space<hbm>> -> memref<1x2048xi32, #tpu.memory_space<hbm>>
        %dma_start3A_139 = arith.constant 1 : i32
        %dma_start3A_140 = tpu.memref_slice %arg3[%dma_start3A_139, %add3A_133] : memref<3x1000000xi32, #tpu.memory_space<hbm>> -> memref<1x2048xi32, #tpu.memory_space<hbm>>
        tpu.enqueue_dma source(%dma_start3A_140 : memref<1x2048xi32, #tpu.memory_space<hbm>>) target(%arg13 : memref<1x2048xi32, #tpu.memory_space<vmem>>) target_semaphore(%arg24 : memref<!tpu.dma_semaphore, #tpu.memory_space<semaphore_mem>>)
        %dma_start3A_141 = arith.constant 2 : i32
        %dma_start3A_142 = tpu.memref_slice %arg3[%dma_start3A_141, %add3A_133] : memref<3x1000000xi32, #tpu.memory_space<hbm>> -> memref<1x2048xi32, #tpu.memory_space<hbm>>
        %dma_start3A_143 = arith.constant 2 : i32
        %dma_start3A_144 = tpu.memref_slice %arg3[%dma_start3A_143, %add3A_133] : memref<3x1000000xi32, #tpu.memory_space<hbm>> -> memref<1x2048xi32, #tpu.memory_space<hbm>>
        tpu.enqueue_dma source(%dma_start3A_144 : memref<1x2048xi32, #tpu.memory_space<hbm>>) target(%arg15 : memref<1x2048xi32, #tpu.memory_space<vmem>>) target_semaphore(%arg24 : memref<!tpu.dma_semaphore, #tpu.memory_space<semaphore_mem>>)
        %dma_start3A_145 = tpu.memref_slice %arg4[%add3A_133] : memref<1000000xf32, #tpu.memory_space<hbm>> -> memref<2048xf32, #tpu.memory_space<hbm>>
        %dma_start3A_146 = tpu.memref_slice %arg4[%add3A_133] : memref<1000000xf32, #tpu.memory_space<hbm>> -> memref<2048xf32, #tpu.memory_space<hbm>>
        tpu.enqueue_dma source(%dma_start3A_146 : memref<2048xf32, #tpu.memory_space<hbm>>) target(%arg17 : memref<2048xf32, #tpu.memory_space<vmem>>) target_semaphore(%arg24 : memref<!tpu.dma_semaphore, #tpu.memory_space<semaphore_mem>>)
      } else {
      }
      %scan3A = arith.constant 0 : i32
      %scan3A_93 = arith.constant 128 : i32
      %scan3A_94 = arith.addi %scan3A, %scan3A_93 : i32
      %scan3A_95 = arith.constant 4 : i32
      %scan3A_96:2 = scf.for %scan3A_129 = %scan3A to %scan3A_94 step %scan3A_95 iter_args(%scan3A_130 = %while3A_68, %scan3A_131 = %while3A_69) -> (vector<16xf32>, vector<16xf32>)  : i32 {
        %mul3A_132 = arith.constant 16 : i32
        %mul3A_133 = arith.muli %scan3A_129, %mul3A_132 : i32
        %get3A = arith.constant 0 : i32
        %get3A_134 = arith.index_cast %get3A : i32 to index
        %get3A_135 = arith.index_cast %mul3A_133 : i32 to index
        %get3A_136 = tpu.vector_load %arg11[%get3A_134, %get3A_135] {strides = array<i32>} : memref<1x2048xi32, #tpu.memory_space<vmem>>, vector<16xi32>,
        %mul3A_137 = arith.constant 16 : i32
        %mul3A_138 = arith.muli %scan3A_129, %mul3A_137 : i32
        %get3A_139 = arith.constant 0 : i32
        %get3A_140 = arith.index_cast %get3A_139 : i32 to index
        %get3A_141 = arith.index_cast %mul3A_138 : i32 to index
        %get3A_142 = tpu.vector_load %arg13[%get3A_140, %get3A_141] {strides = array<i32>} : memref<1x2048xi32, #tpu.memory_space<vmem>>, vector<16xi32>,
        %mul3A_143 = arith.constant 16 : i32
        %mul3A_144 = arith.muli %scan3A_129, %mul3A_143 : i32
        %get3A_145 = arith.constant 0 : i32
        %get3A_146 = arith.index_cast %get3A_145 : i32 to index
        %get3A_147 = arith.index_cast %mul3A_144 : i32 to index
        %get3A_148 = tpu.vector_load %arg15[%get3A_146, %get3A_147] {strides = array<i32>} : memref<1x2048xi32, #tpu.memory_space<vmem>>, vector<16xi32>,
        %gather3A = tpu.vector_load_idx %arg10[%get3A_136] : memref<100000xi32, #tpu.memory_space<vmem>>[vector<16xi32>], vector<16xi32>,
        %gather3A_149 = tpu.vector_load_idx %arg10[%get3A_142] : memref<100000xi32, #tpu.memory_space<vmem>>[vector<16xi32>], vector<16xi32>,
        %gather3A_150 = tpu.vector_load_idx %arg10[%get3A_148] : memref<100000xi32, #tpu.memory_space<vmem>>[vector<16xi32>], vector<16xi32>,
        %shift_left3A = arith.constant 16 : i32
        %shift_left3A_151 = vector.broadcast %shift_left3A : i32 to vector<16xi32>
        %shift_left3A_152 = arith.shli %gather3A, %shift_left3A_151 : vector<16xi32>
        %bitcast3A = vector.bitcast %shift_left3A_152 : vector<16xi32> to vector<16xf32>
        %and3A_153 = arith.constant -65536 : i32
        %and3A_154 = vector.broadcast %and3A_153 : i32 to vector<16xi32>
        %and3A_155 = arith.andi %gather3A, %and3A_154 : vector<16xi32>
        %bitcast3A_156 = vector.bitcast %and3A_155 : vector<16xi32> to vector<16xf32>
        %shift_left3A_157 = arith.constant 16 : i32
        %shift_left3A_158 = vector.broadcast %shift_left3A_157 : i32 to vector<16xi32>
        %shift_left3A_159 = arith.shli %gather3A_149, %shift_left3A_158 : vector<16xi32>
        %bitcast3A_160 = vector.bitcast %shift_left3A_159 : vector<16xi32> to vector<16xf32>
        %and3A_161 = arith.constant -65536 : i32
        %and3A_162 = vector.broadcast %and3A_161 : i32 to vector<16xi32>
        %and3A_163 = arith.andi %gather3A_149, %and3A_162 : vector<16xi32>
        %bitcast3A_164 = vector.bitcast %and3A_163 : vector<16xi32> to vector<16xf32>
        %shift_left3A_165 = arith.constant 16 : i32
        %shift_left3A_166 = vector.broadcast %shift_left3A_165 : i32 to vector<16xi32>
        %shift_left3A_167 = arith.shli %gather3A_150, %shift_left3A_166 : vector<16xi32>
        %bitcast3A_168 = vector.bitcast %shift_left3A_167 : vector<16xi32> to vector<16xf32>
        %and3A_169 = arith.constant -65536 : i32
        %and3A_170 = vector.broadcast %and3A_169 : i32 to vector<16xi32>
        %and3A_171 = arith.andi %gather3A_150, %and3A_170 : vector<16xi32>
        %bitcast3A_172 = vector.bitcast %and3A_171 : vector<16xi32> to vector<16xf32>
        %sub3A_173 = arith.subf %bitcast3A, %bitcast3A_160 : vector<16xf32>
        %sub3A_174 = arith.subf %bitcast3A_156, %bitcast3A_164 : vector<16xf32>
        %sub3A_175 = arith.subf %bitcast3A, %bitcast3A_168 : vector<16xf32>
        %sub3A_176 = arith.subf %bitcast3A_156, %bitcast3A_172 : vector<16xf32>
        %mul3A_177 = arith.mulf %sub3A_173, %sub3A_173 : vector<16xf32>
        %mul3A_178 = arith.mulf %sub3A_174, %sub3A_174 : vector<16xf32>
        %add3A_179 = arith.addf %mul3A_177, %mul3A_178 : vector<16xf32>
        %add3A_180 = arith.constant 1.000000e+00 : f32
        %add3A_181 = vector.broadcast %add3A_180 : f32 to vector<16xf32>
        %add3A_182 = arith.addf %add3A_181, %add3A_179 : vector<16xf32>
        %mul3A_183 = arith.mulf %sub3A_175, %sub3A_175 : vector<16xf32>
        %mul3A_184 = arith.mulf %sub3A_176, %sub3A_176 : vector<16xf32>
        %add3A_185 = arith.addf %mul3A_183, %mul3A_184 : vector<16xf32>
        %add3A_186 = arith.constant 1.000000e+00 : f32
        %add3A_187 = vector.broadcast %add3A_186 : f32 to vector<16xf32>
        %add3A_188 = arith.addf %add3A_187, %add3A_185 : vector<16xf32>
        %mul3A_189 = arith.constant 16 : i32
        %mul3A_190 = arith.muli %scan3A_129, %mul3A_189 : i32
        %get3A_191 = arith.index_cast %mul3A_190 : i32 to index
        %get3A_192 = tpu.vector_load %arg17[%get3A_191] {strides = array<i32>} : memref<2048xf32, #tpu.memory_space<vmem>>, vector<16xf32>,
        %mul3A_193 = arith.mulf %get3A_192, %add3A_182 : vector<16xf32>
        %add3A_194 = arith.addf %add3A_182, %add3A_188 : vector<16xf32>
        %div3A_195 = arith.divf %mul3A_193, %add3A_194 : vector<16xf32>
        %add3A_196 = arith.addf %scan3A_130, %div3A_195 : vector<16xf32>
        %gt3A_197 = arith.cmpf ogt, %add3A_182, %add3A_188 : vector<16xf32>
        %jit3A_198 = arith.constant 1.000000e+00 : f32
        %jit3A_199 = arith.constant 0.000000e+00 : f32
        %broadcast_in_dim3A_200 = vector.broadcast %jit3A_198 : f32 to vector<16xf32>
        %broadcast_in_dim3A_201 = vector.broadcast %jit3A_199 : f32 to vector<16xf32>
        %select_n3A_202 = arith.select %gt3A_197, %broadcast_in_dim3A_200, %broadcast_in_dim3A_201 : vector<16xi1>, vector<16xf32>
        %add3A_203 = arith.addf %scan3A_131, %select_n3A_202 : vector<16xf32>
        %scan3A_204 = arith.constant 1 : i32
        %scan3A_205 = arith.addi %scan3A_129, %scan3A_204 : i32
        %mul3A_206 = arith.constant 16 : i32
        %mul3A_207 = arith.muli %scan3A_205, %mul3A_206 : i32
        %get3A_208 = arith.constant 0 : i32
        %get3A_209 = arith.index_cast %get3A_208 : i32 to index
        %get3A_210 = arith.index_cast %mul3A_207 : i32 to index
        %get3A_211 = tpu.vector_load %arg11[%get3A_209, %get3A_210] {strides = array<i32>} : memref<1x2048xi32, #tpu.memory_space<vmem>>, vector<16xi32>,
        %mul3A_212 = arith.constant 16 : i32
        %mul3A_213 = arith.muli %scan3A_205, %mul3A_212 : i32
        %get3A_214 = arith.constant 0 : i32
        %get3A_215 = arith.index_cast %get3A_214 : i32 to index
        %get3A_216 = arith.index_cast %mul3A_213 : i32 to index
        %get3A_217 = tpu.vector_load %arg13[%get3A_215, %get3A_216] {strides = array<i32>} : memref<1x2048xi32, #tpu.memory_space<vmem>>, vector<16xi32>,
        %mul3A_218 = arith.constant 16 : i32
        %mul3A_219 = arith.muli %scan3A_205, %mul3A_218 : i32
        %get3A_220 = arith.constant 0 : i32
        %get3A_221 = arith.index_cast %get3A_220 : i32 to index
        %get3A_222 = arith.index_cast %mul3A_219 : i32 to index
        %get3A_223 = tpu.vector_load %arg15[%get3A_221, %get3A_222] {strides = array<i32>} : memref<1x2048xi32, #tpu.memory_space<vmem>>, vector<16xi32>,
        %gather3A_224 = tpu.vector_load_idx %arg10[%get3A_211] : memref<100000xi32, #tpu.memory_space<vmem>>[vector<16xi32>], vector<16xi32>,
        %gather3A_225 = tpu.vector_load_idx %arg10[%get3A_217] : memref<100000xi32, #tpu.memory_space<vmem>>[vector<16xi32>], vector<16xi32>,
        %gather3A_226 = tpu.vector_load_idx %arg10[%get3A_223] : memref<100000xi32, #tpu.memory_space<vmem>>[vector<16xi32>], vector<16xi32>,
        %shift_left3A_227 = arith.constant 16 : i32
        %shift_left3A_228 = vector.broadcast %shift_left3A_227 : i32 to vector<16xi32>
        %shift_left3A_229 = arith.shli %gather3A_224, %shift_left3A_228 : vector<16xi32>
        %bitcast3A_230 = vector.bitcast %shift_left3A_229 : vector<16xi32> to vector<16xf32>
        %and3A_231 = arith.constant -65536 : i32
        %and3A_232 = vector.broadcast %and3A_231 : i32 to vector<16xi32>
        %and3A_233 = arith.andi %gather3A_224, %and3A_232 : vector<16xi32>
        %bitcast3A_234 = vector.bitcast %and3A_233 : vector<16xi32> to vector<16xf32>
        %shift_left3A_235 = arith.constant 16 : i32
        %shift_left3A_236 = vector.broadcast %shift_left3A_235 : i32 to vector<16xi32>
        %shift_left3A_237 = arith.shli %gather3A_225, %shift_left3A_236 : vector<16xi32>
        %bitcast3A_238 = vector.bitcast %shift_left3A_237 : vector<16xi32> to vector<16xf32>
        %and3A_239 = arith.constant -65536 : i32
        %and3A_240 = vector.broadcast %and3A_239 : i32 to vector<16xi32>
        %and3A_241 = arith.andi %gather3A_225, %and3A_240 : vector<16xi32>
        %bitcast3A_242 = vector.bitcast %and3A_241 : vector<16xi32> to vector<16xf32>
        %shift_left3A_243 = arith.constant 16 : i32
        %shift_left3A_244 = vector.broadcast %shift_left3A_243 : i32 to vector<16xi32>
        %shift_left3A_245 = arith.shli %gather3A_226, %shift_left3A_244 : vector<16xi32>
        %bitcast3A_246 = vector.bitcast %shift_left3A_245 : vector<16xi32> to vector<16xf32>
        %and3A_247 = arith.constant -65536 : i32
        %and3A_248 = vector.broadcast %and3A_247 : i32 to vector<16xi32>
        %and3A_249 = arith.andi %gather3A_226, %and3A_248 : vector<16xi32>
        %bitcast3A_250 = vector.bitcast %and3A_249 : vector<16xi32> to vector<16xf32>
        %sub3A_251 = arith.subf %bitcast3A_230, %bitcast3A_238 : vector<16xf32>
        %sub3A_252 = arith.subf %bitcast3A_234, %bitcast3A_242 : vector<16xf32>
        %sub3A_253 = arith.subf %bitcast3A_230, %bitcast3A_246 : vector<16xf32>
        %sub3A_254 = arith.subf %bitcast3A_234, %bitcast3A_250 : vector<16xf32>
        %mul3A_255 = arith.mulf %sub3A_251, %sub3A_251 : vector<16xf32>
        %mul3A_256 = arith.mulf %sub3A_252, %sub3A_252 : vector<16xf32>
        %add3A_257 = arith.addf %mul3A_255, %mul3A_256 : vector<16xf32>
        %add3A_258 = arith.constant 1.000000e+00 : f32
        %add3A_259 = vector.broadcast %add3A_258 : f32 to vector<16xf32>
        %add3A_260 = arith.addf %add3A_259, %add3A_257 : vector<16xf32>
        %mul3A_261 = arith.mulf %sub3A_253, %sub3A_253 : vector<16xf32>
        %mul3A_262 = arith.mulf %sub3A_254, %sub3A_254 : vector<16xf32>
        %add3A_263 = arith.addf %mul3A_261, %mul3A_262 : vector<16xf32>
        %add3A_264 = arith.constant 1.000000e+00 : f32
        %add3A_265 = vector.broadcast %add3A_264 : f32 to vector<16xf32>
        %add3A_266 = arith.addf %add3A_265, %add3A_263 : vector<16xf32>
        %mul3A_267 = arith.constant 16 : i32
        %mul3A_268 = arith.muli %scan3A_205, %mul3A_267 : i32
        %get3A_269 = arith.index_cast %mul3A_268 : i32 to index
        %get3A_270 = tpu.vector_load %arg17[%get3A_269] {strides = array<i32>} : memref<2048xf32, #tpu.memory_space<vmem>>, vector<16xf32>,
        %mul3A_271 = arith.mulf %get3A_270, %add3A_260 : vector<16xf32>
        %add3A_272 = arith.addf %add3A_260, %add3A_266 : vector<16xf32>
        %div3A_273 = arith.divf %mul3A_271, %add3A_272 : vector<16xf32>
        %add3A_274 = arith.addf %add3A_196, %div3A_273 : vector<16xf32>
        %gt3A_275 = arith.cmpf ogt, %add3A_260, %add3A_266 : vector<16xf32>
        %jit3A_276 = arith.constant 1.000000e+00 : f32
        %jit3A_277 = arith.constant 0.000000e+00 : f32
        %broadcast_in_dim3A_278 = vector.broadcast %jit3A_276 : f32 to vector<16xf32>
        %broadcast_in_dim3A_279 = vector.broadcast %jit3A_277 : f32 to vector<16xf32>
        %select_n3A_280 = arith.select %gt3A_275, %broadcast_in_dim3A_278, %broadcast_in_dim3A_279 : vector<16xi1>, vector<16xf32>
        %add3A_281 = arith.addf %add3A_203, %select_n3A_280 : vector<16xf32>
        %scan3A_282 = arith.constant 2 : i32
        %scan3A_283 = arith.addi %scan3A_129, %scan3A_282 : i32
        %mul3A_284 = arith.constant 16 : i32
        %mul3A_285 = arith.muli %scan3A_283, %mul3A_284 : i32
        %get3A_286 = arith.constant 0 : i32
        %get3A_287 = arith.index_cast %get3A_286 : i32 to index
        %get3A_288 = arith.index_cast %mul3A_285 : i32 to index
        %get3A_289 = tpu.vector_load %arg11[%get3A_287, %get3A_288] {strides = array<i32>} : memref<1x2048xi32, #tpu.memory_space<vmem>>, vector<16xi32>,
        %mul3A_290 = arith.constant 16 : i32
        %mul3A_291 = arith.muli %scan3A_283, %mul3A_290 : i32
        %get3A_292 = arith.constant 0 : i32
        %get3A_293 = arith.index_cast %get3A_292 : i32 to index
        %get3A_294 = arith.index_cast %mul3A_291 : i32 to index
        %get3A_295 = tpu.vector_load %arg13[%get3A_293, %get3A_294] {strides = array<i32>} : memref<1x2048xi32, #tpu.memory_space<vmem>>, vector<16xi32>,
        %mul3A_296 = arith.constant 16 : i32
        %mul3A_297 = arith.muli %scan3A_283, %mul3A_296 : i32
        %get3A_298 = arith.constant 0 : i32
        %get3A_299 = arith.index_cast %get3A_298 : i32 to index
        %get3A_300 = arith.index_cast %mul3A_297 : i32 to index
        %get3A_301 = tpu.vector_load %arg15[%get3A_299, %get3A_300] {strides = array<i32>} : memref<1x2048xi32, #tpu.memory_space<vmem>>, vector<16xi32>,
        %gather3A_302 = tpu.vector_load_idx %arg10[%get3A_289] : memref<100000xi32, #tpu.memory_space<vmem>>[vector<16xi32>], vector<16xi32>,
        %gather3A_303 = tpu.vector_load_idx %arg10[%get3A_295] : memref<100000xi32, #tpu.memory_space<vmem>>[vector<16xi32>], vector<16xi32>,
        %gather3A_304 = tpu.vector_load_idx %arg10[%get3A_301] : memref<100000xi32, #tpu.memory_space<vmem>>[vector<16xi32>], vector<16xi32>,
        %shift_left3A_305 = arith.constant 16 : i32
        %shift_left3A_306 = vector.broadcast %shift_left3A_305 : i32 to vector<16xi32>
        %shift_left3A_307 = arith.shli %gather3A_302, %shift_left3A_306 : vector<16xi32>
        %bitcast3A_308 = vector.bitcast %shift_left3A_307 : vector<16xi32> to vector<16xf32>
        %and3A_309 = arith.constant -65536 : i32
        %and3A_310 = vector.broadcast %and3A_309 : i32 to vector<16xi32>
        %and3A_311 = arith.andi %gather3A_302, %and3A_310 : vector<16xi32>
        %bitcast3A_312 = vector.bitcast %and3A_311 : vector<16xi32> to vector<16xf32>
        %shift_left3A_313 = arith.constant 16 : i32
        %shift_left3A_314 = vector.broadcast %shift_left3A_313 : i32 to vector<16xi32>
        %shift_left3A_315 = arith.shli %gather3A_303, %shift_left3A_314 : vector<16xi32>
        %bitcast3A_316 = vector.bitcast %shift_left3A_315 : vector<16xi32> to vector<16xf32>
        %and3A_317 = arith.constant -65536 : i32
        %and3A_318 = vector.broadcast %and3A_317 : i32 to vector<16xi32>
        %and3A_319 = arith.andi %gather3A_303, %and3A_318 : vector<16xi32>
        %bitcast3A_320 = vector.bitcast %and3A_319 : vector<16xi32> to vector<16xf32>
        %shift_left3A_321 = arith.constant 16 : i32
        %shift_left3A_322 = vector.broadcast %shift_left3A_321 : i32 to vector<16xi32>
        %shift_left3A_323 = arith.shli %gather3A_304, %shift_left3A_322 : vector<16xi32>
        %bitcast3A_324 = vector.bitcast %shift_left3A_323 : vector<16xi32> to vector<16xf32>
        %and3A_325 = arith.constant -65536 : i32
        %and3A_326 = vector.broadcast %and3A_325 : i32 to vector<16xi32>
        %and3A_327 = arith.andi %gather3A_304, %and3A_326 : vector<16xi32>
        %bitcast3A_328 = vector.bitcast %and3A_327 : vector<16xi32> to vector<16xf32>
        %sub3A_329 = arith.subf %bitcast3A_308, %bitcast3A_316 : vector<16xf32>
        %sub3A_330 = arith.subf %bitcast3A_312, %bitcast3A_320 : vector<16xf32>
        %sub3A_331 = arith.subf %bitcast3A_308, %bitcast3A_324 : vector<16xf32>
        %sub3A_332 = arith.subf %bitcast3A_312, %bitcast3A_328 : vector<16xf32>
        %mul3A_333 = arith.mulf %sub3A_329, %sub3A_329 : vector<16xf32>
        %mul3A_334 = arith.mulf %sub3A_330, %sub3A_330 : vector<16xf32>
        %add3A_335 = arith.addf %mul3A_333, %mul3A_334 : vector<16xf32>
        %add3A_336 = arith.constant 1.000000e+00 : f32
        %add3A_337 = vector.broadcast %add3A_336 : f32 to vector<16xf32>
        %add3A_338 = arith.addf %add3A_337, %add3A_335 : vector<16xf32>
        %mul3A_339 = arith.mulf %sub3A_331, %sub3A_331 : vector<16xf32>
        %mul3A_340 = arith.mulf %sub3A_332, %sub3A_332 : vector<16xf32>
        %add3A_341 = arith.addf %mul3A_339, %mul3A_340 : vector<16xf32>
        %add3A_342 = arith.constant 1.000000e+00 : f32
        %add3A_343 = vector.broadcast %add3A_342 : f32 to vector<16xf32>
        %add3A_344 = arith.addf %add3A_343, %add3A_341 : vector<16xf32>
        %mul3A_345 = arith.constant 16 : i32
        %mul3A_346 = arith.muli %scan3A_283, %mul3A_345 : i32
        %get3A_347 = arith.index_cast %mul3A_346 : i32 to index
        %get3A_348 = tpu.vector_load %arg17[%get3A_347] {strides = array<i32>} : memref<2048xf32, #tpu.memory_space<vmem>>, vector<16xf32>,
        %mul3A_349 = arith.mulf %get3A_348, %add3A_338 : vector<16xf32>
        %add3A_350 = arith.addf %add3A_338, %add3A_344 : vector<16xf32>
        %div3A_351 = arith.divf %mul3A_349, %add3A_350 : vector<16xf32>
        %add3A_352 = arith.addf %add3A_274, %div3A_351 : vector<16xf32>
        %gt3A_353 = arith.cmpf ogt, %add3A_338, %add3A_344 : vector<16xf32>
        %jit3A_354 = arith.constant 1.000000e+00 : f32
        %jit3A_355 = arith.constant 0.000000e+00 : f32
        %broadcast_in_dim3A_356 = vector.broadcast %jit3A_354 : f32 to vector<16xf32>
        %broadcast_in_dim3A_357 = vector.broadcast %jit3A_355 : f32 to vector<16xf32>
        %select_n3A_358 = arith.select %gt3A_353, %broadcast_in_dim3A_356, %broadcast_in_dim3A_357 : vector<16xi1>, vector<16xf32>
        %add3A_359 = arith.addf %add3A_281, %select_n3A_358 : vector<16xf32>
        %scan3A_360 = arith.constant 3 : i32
        %scan3A_361 = arith.addi %scan3A_129, %scan3A_360 : i32
        %mul3A_362 = arith.constant 16 : i32
        %mul3A_363 = arith.muli %scan3A_361, %mul3A_362 : i32
        %get3A_364 = arith.constant 0 : i32
        %get3A_365 = arith.index_cast %get3A_364 : i32 to index
        %get3A_366 = arith.index_cast %mul3A_363 : i32 to index
        %get3A_367 = tpu.vector_load %arg11[%get3A_365, %get3A_366] {strides = array<i32>} : memref<1x2048xi32, #tpu.memory_space<vmem>>, vector<16xi32>,
        %mul3A_368 = arith.constant 16 : i32
        %mul3A_369 = arith.muli %scan3A_361, %mul3A_368 : i32
        %get3A_370 = arith.constant 0 : i32
        %get3A_371 = arith.index_cast %get3A_370 : i32 to index
        %get3A_372 = arith.index_cast %mul3A_369 : i32 to index
        %get3A_373 = tpu.vector_load %arg13[%get3A_371, %get3A_372] {strides = array<i32>} : memref<1x2048xi32, #tpu.memory_space<vmem>>, vector<16xi32>,
        %mul3A_374 = arith.constant 16 : i32
        %mul3A_375 = arith.muli %scan3A_361, %mul3A_374 : i32
        %get3A_376 = arith.constant 0 : i32
        %get3A_377 = arith.index_cast %get3A_376 : i32 to index
        %get3A_378 = arith.index_cast %mul3A_375 : i32 to index
        %get3A_379 = tpu.vector_load %arg15[%get3A_377, %get3A_378] {strides = array<i32>} : memref<1x2048xi32, #tpu.memory_space<vmem>>, vector<16xi32>,
        %gather3A_380 = tpu.vector_load_idx %arg10[%get3A_367] : memref<100000xi32, #tpu.memory_space<vmem>>[vector<16xi32>], vector<16xi32>,
        %gather3A_381 = tpu.vector_load_idx %arg10[%get3A_373] : memref<100000xi32, #tpu.memory_space<vmem>>[vector<16xi32>], vector<16xi32>,
        %gather3A_382 = tpu.vector_load_idx %arg10[%get3A_379] : memref<100000xi32, #tpu.memory_space<vmem>>[vector<16xi32>], vector<16xi32>,
        %shift_left3A_383 = arith.constant 16 : i32
        %shift_left3A_384 = vector.broadcast %shift_left3A_383 : i32 to vector<16xi32>
        %shift_left3A_385 = arith.shli %gather3A_380, %shift_left3A_384 : vector<16xi32>
        %bitcast3A_386 = vector.bitcast %shift_left3A_385 : vector<16xi32> to vector<16xf32>
        %and3A_387 = arith.constant -65536 : i32
        %and3A_388 = vector.broadcast %and3A_387 : i32 to vector<16xi32>
        %and3A_389 = arith.andi %gather3A_380, %and3A_388 : vector<16xi32>
        %bitcast3A_390 = vector.bitcast %and3A_389 : vector<16xi32> to vector<16xf32>
        %shift_left3A_391 = arith.constant 16 : i32
        %shift_left3A_392 = vector.broadcast %shift_left3A_391 : i32 to vector<16xi32>
        %shift_left3A_393 = arith.shli %gather3A_381, %shift_left3A_392 : vector<16xi32>
        %bitcast3A_394 = vector.bitcast %shift_left3A_393 : vector<16xi32> to vector<16xf32>
        %and3A_395 = arith.constant -65536 : i32
        %and3A_396 = vector.broadcast %and3A_395 : i32 to vector<16xi32>
        %and3A_397 = arith.andi %gather3A_381, %and3A_396 : vector<16xi32>
        %bitcast3A_398 = vector.bitcast %and3A_397 : vector<16xi32> to vector<16xf32>
        %shift_left3A_399 = arith.constant 16 : i32
        %shift_left3A_400 = vector.broadcast %shift_left3A_399 : i32 to vector<16xi32>
        %shift_left3A_401 = arith.shli %gather3A_382, %shift_left3A_400 : vector<16xi32>
        %bitcast3A_402 = vector.bitcast %shift_left3A_401 : vector<16xi32> to vector<16xf32>
        %and3A_403 = arith.constant -65536 : i32
        %and3A_404 = vector.broadcast %and3A_403 : i32 to vector<16xi32>
        %and3A_405 = arith.andi %gather3A_382, %and3A_404 : vector<16xi32>
        %bitcast3A_406 = vector.bitcast %and3A_405 : vector<16xi32> to vector<16xf32>
        %sub3A_407 = arith.subf %bitcast3A_386, %bitcast3A_394 : vector<16xf32>
        %sub3A_408 = arith.subf %bitcast3A_390, %bitcast3A_398 : vector<16xf32>
        %sub3A_409 = arith.subf %bitcast3A_386, %bitcast3A_402 : vector<16xf32>
        %sub3A_410 = arith.subf %bitcast3A_390, %bitcast3A_406 : vector<16xf32>
        %mul3A_411 = arith.mulf %sub3A_407, %sub3A_407 : vector<16xf32>
        %mul3A_412 = arith.mulf %sub3A_408, %sub3A_408 : vector<16xf32>
        %add3A_413 = arith.addf %mul3A_411, %mul3A_412 : vector<16xf32>
        %add3A_414 = arith.constant 1.000000e+00 : f32
        %add3A_415 = vector.broadcast %add3A_414 : f32 to vector<16xf32>
        %add3A_416 = arith.addf %add3A_415, %add3A_413 : vector<16xf32>
        %mul3A_417 = arith.mulf %sub3A_409, %sub3A_409 : vector<16xf32>
        %mul3A_418 = arith.mulf %sub3A_410, %sub3A_410 : vector<16xf32>
        %add3A_419 = arith.addf %mul3A_417, %mul3A_418 : vector<16xf32>
        %add3A_420 = arith.constant 1.000000e+00 : f32
        %add3A_421 = vector.broadcast %add3A_420 : f32 to vector<16xf32>
        %add3A_422 = arith.addf %add3A_421, %add3A_419 : vector<16xf32>
        %mul3A_423 = arith.constant 16 : i32
        %mul3A_424 = arith.muli %scan3A_361, %mul3A_423 : i32
        %get3A_425 = arith.index_cast %mul3A_424 : i32 to index
        %get3A_426 = tpu.vector_load %arg17[%get3A_425] {strides = array<i32>} : memref<2048xf32, #tpu.memory_space<vmem>>, vector<16xf32>,
        %mul3A_427 = arith.mulf %get3A_426, %add3A_416 : vector<16xf32>
        %add3A_428 = arith.addf %add3A_416, %add3A_422 : vector<16xf32>
        %div3A_429 = arith.divf %mul3A_427, %add3A_428 : vector<16xf32>
        %add3A_430 = arith.addf %add3A_352, %div3A_429 : vector<16xf32>
        %gt3A_431 = arith.cmpf ogt, %add3A_416, %add3A_422 : vector<16xf32>
        %jit3A_432 = arith.constant 1.000000e+00 : f32
        %jit3A_433 = arith.constant 0.000000e+00 : f32
        %broadcast_in_dim3A_434 = vector.broadcast %jit3A_432 : f32 to vector<16xf32>
        %broadcast_in_dim3A_435 = vector.broadcast %jit3A_433 : f32 to vector<16xf32>
        %select_n3A_436 = arith.select %gt3A_431, %broadcast_in_dim3A_434, %broadcast_in_dim3A_435 : vector<16xi1>, vector<16xf32>
        %add3A_437 = arith.addf %add3A_359, %select_n3A_436 : vector<16xf32>
        scf.yield %add3A_430, %add3A_437 : vector<16xf32>, vector<16xf32>
      }
      %scan3A_97 = arith.constant 128 : i32
      %add3A_98 = arith.constant 1 : i32
      %add3A_99 = arith.addi %mul3A_71, %add3A_98 : i32
      %mul3A_100 = arith.constant 2048 : i32
      %mul3A_101 = arith.muli %add3A_99, %mul3A_100 : i32
      %add3A_102 = arith.addi %mul3A_2, %mul3A_101 : i32
      %dma_wait3A_103 = arith.constant 0 : i32
      %dma_wait3A_104 = tpu.memref_slice %arg3[%dma_wait3A_103, %add3A_102] : memref<3x1000000xi32, #tpu.memory_space<hbm>> -> memref<1x2048xi32, #tpu.memory_space<hbm>>
      %dma_wait3A_105 = arith.constant 0 : i32
      %dma_wait3A_106 = tpu.memref_slice %arg3[%dma_wait3A_105, %add3A_102] : memref<3x1000000xi32, #tpu.memory_space<hbm>> -> memref<1x2048xi32, #tpu.memory_space<hbm>>
      tpu.wait_dma2 semaphore(%arg25 : memref<!tpu.dma_semaphore, #tpu.memory_space<semaphore_mem>>) src(%dma_wait3A_106 : memref<1x2048xi32, #tpu.memory_space<hbm>>) dst(%arg12 : memref<1x2048xi32, #tpu.memory_space<vmem>>)
      %dma_wait3A_107 = arith.constant 1 : i32
      %dma_wait3A_108 = tpu.memref_slice %arg3[%dma_wait3A_107, %add3A_102] : memref<3x1000000xi32, #tpu.memory_space<hbm>> -> memref<1x2048xi32, #tpu.memory_space<hbm>>
      %dma_wait3A_109 = arith.constant 1 : i32
      %dma_wait3A_110 = tpu.memref_slice %arg3[%dma_wait3A_109, %add3A_102] : memref<3x1000000xi32, #tpu.memory_space<hbm>> -> memref<1x2048xi32, #tpu.memory_space<hbm>>
      tpu.wait_dma2 semaphore(%arg25 : memref<!tpu.dma_semaphore, #tpu.memory_space<semaphore_mem>>) src(%dma_wait3A_110 : memref<1x2048xi32, #tpu.memory_space<hbm>>) dst(%arg14 : memref<1x2048xi32, #tpu.memory_space<vmem>>)
      %dma_wait3A_111 = arith.constant 2 : i32
      %dma_wait3A_112 = tpu.memref_slice %arg3[%dma_wait3A_111, %add3A_102] : memref<3x1000000xi32, #tpu.memory_space<hbm>> -> memref<1x2048xi32, #tpu.memory_space<hbm>>
      %dma_wait3A_113 = arith.constant 2 : i32
      %dma_wait3A_114 = tpu.memref_slice %arg3[%dma_wait3A_113, %add3A_102] : memref<3x1000000xi32, #tpu.memory_space<hbm>> -> memref<1x2048xi32, #tpu.memory_space<hbm>>
      tpu.wait_dma2 semaphore(%arg25 : memref<!tpu.dma_semaphore, #tpu.memory_space<semaphore_mem>>) src(%dma_wait3A_114 : memref<1x2048xi32, #tpu.memory_space<hbm>>) dst(%arg16 : memref<1x2048xi32, #tpu.memory_space<vmem>>)
      %dma_wait3A_115 = tpu.memref_slice %arg4[%add3A_102] : memref<1000000xf32, #tpu.memory_space<hbm>> -> memref<2048xf32, #tpu.memory_space<hbm>>
      %dma_wait3A_116 = tpu.memref_slice %arg4[%add3A_102] : memref<1000000xf32, #tpu.memory_space<hbm>> -> memref<2048xf32, #tpu.memory_space<hbm>>
      tpu.wait_dma2 semaphore(%arg25 : memref<!tpu.dma_semaphore, #tpu.memory_space<semaphore_mem>>) src(%dma_wait3A_116 : memref<2048xf32, #tpu.memory_space<hbm>>) dst(%arg18 : memref<2048xf32, #tpu.memory_space<vmem>>)
      %add3A_117 = arith.constant 3 : i32
      %add3A_118 = arith.addi %mul3A_71, %add3A_117 : i32
      %lt3A_119 = arith.cmpi slt, %add3A_118, %min3A : i32
      %convert_element_type3A_120 = arith.extui %lt3A_119 : i1 to i32
      %cond3A_121 = arith.constant 0 : i32
      %cond3A_122 = arith.cmpi ne, %convert_element_type3A_120, %cond3A_121 : i32
      scf.if %cond3A_122 {
        %add3A_129 = arith.constant 3 : i32
        %add3A_130 = arith.addi %mul3A_71, %add3A_129 : i32
        %mul3A_131 = arith.constant 2048 : i32
        %mul3A_132 = arith.muli %add3A_130, %mul3A_131 : i32
        %add3A_133 = arith.addi %mul3A_2, %mul3A_132 : i32
        %dma_start3A = arith.constant 0 : i32
        %dma_start3A_134 = tpu.memref_slice %arg3[%dma_start3A, %add3A_133] : memref<3x1000000xi32, #tpu.memory_space<hbm>> -> memref<1x2048xi32, #tpu.memory_space<hbm>>
        %dma_start3A_135 = arith.constant 0 : i32
        %dma_start3A_136 = tpu.memref_slice %arg3[%dma_start3A_135, %add3A_133] : memref<3x1000000xi32, #tpu.memory_space<hbm>> -> memref<1x2048xi32, #tpu.memory_space<hbm>>
        tpu.enqueue_dma source(%dma_start3A_136 : memref<1x2048xi32, #tpu.memory_space<hbm>>) target(%arg12 : memref<1x2048xi32, #tpu.memory_space<vmem>>) target_semaphore(%arg25 : memref<!tpu.dma_semaphore, #tpu.memory_space<semaphore_mem>>)
        %dma_start3A_137 = arith.constant 1 : i32
        %dma_start3A_138 = tpu.memref_slice %arg3[%dma_start3A_137, %add3A_133] : memref<3x1000000xi32, #tpu.memory_space<hbm>> -> memref<1x2048xi32, #tpu.memory_space<hbm>>
        %dma_start3A_139 = arith.constant 1 : i32
        %dma_start3A_140 = tpu.memref_slice %arg3[%dma_start3A_139, %add3A_133] : memref<3x1000000xi32, #tpu.memory_space<hbm>> -> memref<1x2048xi32, #tpu.memory_space<hbm>>
        tpu.enqueue_dma source(%dma_start3A_140 : memref<1x2048xi32, #tpu.memory_space<hbm>>) target(%arg14 : memref<1x2048xi32, #tpu.memory_space<vmem>>) target_semaphore(%arg25 : memref<!tpu.dma_semaphore, #tpu.memory_space<semaphore_mem>>)
        %dma_start3A_141 = arith.constant 2 : i32
        %dma_start3A_142 = tpu.memref_slice %arg3[%dma_start3A_141, %add3A_133] : memref<3x1000000xi32, #tpu.memory_space<hbm>> -> memref<1x2048xi32, #tpu.memory_space<hbm>>
        %dma_start3A_143 = arith.constant 2 : i32
        %dma_start3A_144 = tpu.memref_slice %arg3[%dma_start3A_143, %add3A_133] : memref<3x1000000xi32, #tpu.memory_space<hbm>> -> memref<1x2048xi32, #tpu.memory_space<hbm>>
        tpu.enqueue_dma source(%dma_start3A_144 : memref<1x2048xi32, #tpu.memory_space<hbm>>) target(%arg16 : memref<1x2048xi32, #tpu.memory_space<vmem>>) target_semaphore(%arg25 : memref<!tpu.dma_semaphore, #tpu.memory_space<semaphore_mem>>)
        %dma_start3A_145 = tpu.memref_slice %arg4[%add3A_133] : memref<1000000xf32, #tpu.memory_space<hbm>> -> memref<2048xf32, #tpu.memory_space<hbm>>
        %dma_start3A_146 = tpu.memref_slice %arg4[%add3A_133] : memref<1000000xf32, #tpu.memory_space<hbm>> -> memref<2048xf32, #tpu.memory_space<hbm>>
        tpu.enqueue_dma source(%dma_start3A_146 : memref<2048xf32, #tpu.memory_space<hbm>>) target(%arg18 : memref<2048xf32, #tpu.memory_space<vmem>>) target_semaphore(%arg25 : memref<!tpu.dma_semaphore, #tpu.memory_space<semaphore_mem>>)
      } else {
      }
      %scan3A_123 = arith.constant 0 : i32
      %scan3A_124 = arith.constant 128 : i32
      %scan3A_125 = arith.addi %scan3A_123, %scan3A_124 : i32
      %scan3A_126 = arith.constant 4 : i32
      %scan3A_127:2 = scf.for %scan3A_129 = %scan3A_123 to %scan3A_125 step %scan3A_126 iter_args(%scan3A_130 = %scan3A_96#0, %scan3A_131 = %scan3A_96#1) -> (vector<16xf32>, vector<16xf32>)  : i32 {
        %mul3A_132 = arith.constant 16 : i32
        %mul3A_133 = arith.muli %scan3A_129, %mul3A_132 : i32
        %get3A = arith.constant 0 : i32
        %get3A_134 = arith.index_cast %get3A : i32 to index
        %get3A_135 = arith.index_cast %mul3A_133 : i32 to index
        %get3A_136 = tpu.vector_load %arg12[%get3A_134, %get3A_135] {strides = array<i32>} : memref<1x2048xi32, #tpu.memory_space<vmem>>, vector<16xi32>,
        %mul3A_137 = arith.constant 16 : i32
        %mul3A_138 = arith.muli %scan3A_129, %mul3A_137 : i32
        %get3A_139 = arith.constant 0 : i32
        %get3A_140 = arith.index_cast %get3A_139 : i32 to index
        %get3A_141 = arith.index_cast %mul3A_138 : i32 to index
        %get3A_142 = tpu.vector_load %arg14[%get3A_140, %get3A_141] {strides = array<i32>} : memref<1x2048xi32, #tpu.memory_space<vmem>>, vector<16xi32>,
        %mul3A_143 = arith.constant 16 : i32
        %mul3A_144 = arith.muli %scan3A_129, %mul3A_143 : i32
        %get3A_145 = arith.constant 0 : i32
        %get3A_146 = arith.index_cast %get3A_145 : i32 to index
        %get3A_147 = arith.index_cast %mul3A_144 : i32 to index
        %get3A_148 = tpu.vector_load %arg16[%get3A_146, %get3A_147] {strides = array<i32>} : memref<1x2048xi32, #tpu.memory_space<vmem>>, vector<16xi32>,
        %gather3A = tpu.vector_load_idx %arg10[%get3A_136] : memref<100000xi32, #tpu.memory_space<vmem>>[vector<16xi32>], vector<16xi32>,
        %gather3A_149 = tpu.vector_load_idx %arg10[%get3A_142] : memref<100000xi32, #tpu.memory_space<vmem>>[vector<16xi32>], vector<16xi32>,
        %gather3A_150 = tpu.vector_load_idx %arg10[%get3A_148] : memref<100000xi32, #tpu.memory_space<vmem>>[vector<16xi32>], vector<16xi32>,
        %shift_left3A = arith.constant 16 : i32
        %shift_left3A_151 = vector.broadcast %shift_left3A : i32 to vector<16xi32>
        %shift_left3A_152 = arith.shli %gather3A, %shift_left3A_151 : vector<16xi32>
        %bitcast3A = vector.bitcast %shift_left3A_152 : vector<16xi32> to vector<16xf32>
        %and3A_153 = arith.constant -65536 : i32
        %and3A_154 = vector.broadcast %and3A_153 : i32 to vector<16xi32>
        %and3A_155 = arith.andi %gather3A, %and3A_154 : vector<16xi32>
        %bitcast3A_156 = vector.bitcast %and3A_155 : vector<16xi32> to vector<16xf32>
        %shift_left3A_157 = arith.constant 16 : i32
        %shift_left3A_158 = vector.broadcast %shift_left3A_157 : i32 to vector<16xi32>
        %shift_left3A_159 = arith.shli %gather3A_149, %shift_left3A_158 : vector<16xi32>
        %bitcast3A_160 = vector.bitcast %shift_left3A_159 : vector<16xi32> to vector<16xf32>
        %and3A_161 = arith.constant -65536 : i32
        %and3A_162 = vector.broadcast %and3A_161 : i32 to vector<16xi32>
        %and3A_163 = arith.andi %gather3A_149, %and3A_162 : vector<16xi32>
        %bitcast3A_164 = vector.bitcast %and3A_163 : vector<16xi32> to vector<16xf32>
        %shift_left3A_165 = arith.constant 16 : i32
        %shift_left3A_166 = vector.broadcast %shift_left3A_165 : i32 to vector<16xi32>
        %shift_left3A_167 = arith.shli %gather3A_150, %shift_left3A_166 : vector<16xi32>
        %bitcast3A_168 = vector.bitcast %shift_left3A_167 : vector<16xi32> to vector<16xf32>
        %and3A_169 = arith.constant -65536 : i32
        %and3A_170 = vector.broadcast %and3A_169 : i32 to vector<16xi32>
        %and3A_171 = arith.andi %gather3A_150, %and3A_170 : vector<16xi32>
        %bitcast3A_172 = vector.bitcast %and3A_171 : vector<16xi32> to vector<16xf32>
        %sub3A_173 = arith.subf %bitcast3A, %bitcast3A_160 : vector<16xf32>
        %sub3A_174 = arith.subf %bitcast3A_156, %bitcast3A_164 : vector<16xf32>
        %sub3A_175 = arith.subf %bitcast3A, %bitcast3A_168 : vector<16xf32>
        %sub3A_176 = arith.subf %bitcast3A_156, %bitcast3A_172 : vector<16xf32>
        %mul3A_177 = arith.mulf %sub3A_173, %sub3A_173 : vector<16xf32>
        %mul3A_178 = arith.mulf %sub3A_174, %sub3A_174 : vector<16xf32>
        %add3A_179 = arith.addf %mul3A_177, %mul3A_178 : vector<16xf32>
        %add3A_180 = arith.constant 1.000000e+00 : f32
        %add3A_181 = vector.broadcast %add3A_180 : f32 to vector<16xf32>
        %add3A_182 = arith.addf %add3A_181, %add3A_179 : vector<16xf32>
        %mul3A_183 = arith.mulf %sub3A_175, %sub3A_175 : vector<16xf32>
        %mul3A_184 = arith.mulf %sub3A_176, %sub3A_176 : vector<16xf32>
        %add3A_185 = arith.addf %mul3A_183, %mul3A_184 : vector<16xf32>
        %add3A_186 = arith.constant 1.000000e+00 : f32
        %add3A_187 = vector.broadcast %add3A_186 : f32 to vector<16xf32>
        %add3A_188 = arith.addf %add3A_187, %add3A_185 : vector<16xf32>
        %mul3A_189 = arith.constant 16 : i32
        %mul3A_190 = arith.muli %scan3A_129, %mul3A_189 : i32
        %get3A_191 = arith.index_cast %mul3A_190 : i32 to index
        %get3A_192 = tpu.vector_load %arg18[%get3A_191] {strides = array<i32>} : memref<2048xf32, #tpu.memory_space<vmem>>, vector<16xf32>,
        %mul3A_193 = arith.mulf %get3A_192, %add3A_182 : vector<16xf32>
        %add3A_194 = arith.addf %add3A_182, %add3A_188 : vector<16xf32>
        %div3A_195 = arith.divf %mul3A_193, %add3A_194 : vector<16xf32>
        %add3A_196 = arith.addf %scan3A_130, %div3A_195 : vector<16xf32>
        %gt3A_197 = arith.cmpf ogt, %add3A_182, %add3A_188 : vector<16xf32>
        %jit3A_198 = arith.constant 1.000000e+00 : f32
        %jit3A_199 = arith.constant 0.000000e+00 : f32
        %broadcast_in_dim3A_200 = vector.broadcast %jit3A_198 : f32 to vector<16xf32>
        %broadcast_in_dim3A_201 = vector.broadcast %jit3A_199 : f32 to vector<16xf32>
        %select_n3A_202 = arith.select %gt3A_197, %broadcast_in_dim3A_200, %broadcast_in_dim3A_201 : vector<16xi1>, vector<16xf32>
        %add3A_203 = arith.addf %scan3A_131, %select_n3A_202 : vector<16xf32>
        %scan3A_204 = arith.constant 1 : i32
        %scan3A_205 = arith.addi %scan3A_129, %scan3A_204 : i32
        %mul3A_206 = arith.constant 16 : i32
        %mul3A_207 = arith.muli %scan3A_205, %mul3A_206 : i32
        %get3A_208 = arith.constant 0 : i32
        %get3A_209 = arith.index_cast %get3A_208 : i32 to index
        %get3A_210 = arith.index_cast %mul3A_207 : i32 to index
        %get3A_211 = tpu.vector_load %arg12[%get3A_209, %get3A_210] {strides = array<i32>} : memref<1x2048xi32, #tpu.memory_space<vmem>>, vector<16xi32>,
        %mul3A_212 = arith.constant 16 : i32
        %mul3A_213 = arith.muli %scan3A_205, %mul3A_212 : i32
        %get3A_214 = arith.constant 0 : i32
        %get3A_215 = arith.index_cast %get3A_214 : i32 to index
        %get3A_216 = arith.index_cast %mul3A_213 : i32 to index
        %get3A_217 = tpu.vector_load %arg14[%get3A_215, %get3A_216] {strides = array<i32>} : memref<1x2048xi32, #tpu.memory_space<vmem>>, vector<16xi32>,
        %mul3A_218 = arith.constant 16 : i32
        %mul3A_219 = arith.muli %scan3A_205, %mul3A_218 : i32
        %get3A_220 = arith.constant 0 : i32
        %get3A_221 = arith.index_cast %get3A_220 : i32 to index
        %get3A_222 = arith.index_cast %mul3A_219 : i32 to index
        %get3A_223 = tpu.vector_load %arg16[%get3A_221, %get3A_222] {strides = array<i32>} : memref<1x2048xi32, #tpu.memory_space<vmem>>, vector<16xi32>,
        %gather3A_224 = tpu.vector_load_idx %arg10[%get3A_211] : memref<100000xi32, #tpu.memory_space<vmem>>[vector<16xi32>], vector<16xi32>,
        %gather3A_225 = tpu.vector_load_idx %arg10[%get3A_217] : memref<100000xi32, #tpu.memory_space<vmem>>[vector<16xi32>], vector<16xi32>,
        %gather3A_226 = tpu.vector_load_idx %arg10[%get3A_223] : memref<100000xi32, #tpu.memory_space<vmem>>[vector<16xi32>], vector<16xi32>,
        %shift_left3A_227 = arith.constant 16 : i32
        %shift_left3A_228 = vector.broadcast %shift_left3A_227 : i32 to vector<16xi32>
        %shift_left3A_229 = arith.shli %gather3A_224, %shift_left3A_228 : vector<16xi32>
        %bitcast3A_230 = vector.bitcast %shift_left3A_229 : vector<16xi32> to vector<16xf32>
        %and3A_231 = arith.constant -65536 : i32
        %and3A_232 = vector.broadcast %and3A_231 : i32 to vector<16xi32>
        %and3A_233 = arith.andi %gather3A_224, %and3A_232 : vector<16xi32>
        %bitcast3A_234 = vector.bitcast %and3A_233 : vector<16xi32> to vector<16xf32>
        %shift_left3A_235 = arith.constant 16 : i32
        %shift_left3A_236 = vector.broadcast %shift_left3A_235 : i32 to vector<16xi32>
        %shift_left3A_237 = arith.shli %gather3A_225, %shift_left3A_236 : vector<16xi32>
        %bitcast3A_238 = vector.bitcast %shift_left3A_237 : vector<16xi32> to vector<16xf32>
        %and3A_239 = arith.constant -65536 : i32
        %and3A_240 = vector.broadcast %and3A_239 : i32 to vector<16xi32>
        %and3A_241 = arith.andi %gather3A_225, %and3A_240 : vector<16xi32>
        %bitcast3A_242 = vector.bitcast %and3A_241 : vector<16xi32> to vector<16xf32>
        %shift_left3A_243 = arith.constant 16 : i32
        %shift_left3A_244 = vector.broadcast %shift_left3A_243 : i32 to vector<16xi32>
        %shift_left3A_245 = arith.shli %gather3A_226, %shift_left3A_244 : vector<16xi32>
        %bitcast3A_246 = vector.bitcast %shift_left3A_245 : vector<16xi32> to vector<16xf32>
        %and3A_247 = arith.constant -65536 : i32
        %and3A_248 = vector.broadcast %and3A_247 : i32 to vector<16xi32>
        %and3A_249 = arith.andi %gather3A_226, %and3A_248 : vector<16xi32>
        %bitcast3A_250 = vector.bitcast %and3A_249 : vector<16xi32> to vector<16xf32>
        %sub3A_251 = arith.subf %bitcast3A_230, %bitcast3A_238 : vector<16xf32>
        %sub3A_252 = arith.subf %bitcast3A_234, %bitcast3A_242 : vector<16xf32>
        %sub3A_253 = arith.subf %bitcast3A_230, %bitcast3A_246 : vector<16xf32>
        %sub3A_254 = arith.subf %bitcast3A_234, %bitcast3A_250 : vector<16xf32>
        %mul3A_255 = arith.mulf %sub3A_251, %sub3A_251 : vector<16xf32>
        %mul3A_256 = arith.mulf %sub3A_252, %sub3A_252 : vector<16xf32>
        %add3A_257 = arith.addf %mul3A_255, %mul3A_256 : vector<16xf32>
        %add3A_258 = arith.constant 1.000000e+00 : f32
        %add3A_259 = vector.broadcast %add3A_258 : f32 to vector<16xf32>
        %add3A_260 = arith.addf %add3A_259, %add3A_257 : vector<16xf32>
        %mul3A_261 = arith.mulf %sub3A_253, %sub3A_253 : vector<16xf32>
        %mul3A_262 = arith.mulf %sub3A_254, %sub3A_254 : vector<16xf32>
        %add3A_263 = arith.addf %mul3A_261, %mul3A_262 : vector<16xf32>
        %add3A_264 = arith.constant 1.000000e+00 : f32
        %add3A_265 = vector.broadcast %add3A_264 : f32 to vector<16xf32>
        %add3A_266 = arith.addf %add3A_265, %add3A_263 : vector<16xf32>
        %mul3A_267 = arith.constant 16 : i32
        %mul3A_268 = arith.muli %scan3A_205, %mul3A_267 : i32
        %get3A_269 = arith.index_cast %mul3A_268 : i32 to index
        %get3A_270 = tpu.vector_load %arg18[%get3A_269] {strides = array<i32>} : memref<2048xf32, #tpu.memory_space<vmem>>, vector<16xf32>,
        %mul3A_271 = arith.mulf %get3A_270, %add3A_260 : vector<16xf32>
        %add3A_272 = arith.addf %add3A_260, %add3A_266 : vector<16xf32>
        %div3A_273 = arith.divf %mul3A_271, %add3A_272 : vector<16xf32>
        %add3A_274 = arith.addf %add3A_196, %div3A_273 : vector<16xf32>
        %gt3A_275 = arith.cmpf ogt, %add3A_260, %add3A_266 : vector<16xf32>
        %jit3A_276 = arith.constant 1.000000e+00 : f32
        %jit3A_277 = arith.constant 0.000000e+00 : f32
        %broadcast_in_dim3A_278 = vector.broadcast %jit3A_276 : f32 to vector<16xf32>
        %broadcast_in_dim3A_279 = vector.broadcast %jit3A_277 : f32 to vector<16xf32>
        %select_n3A_280 = arith.select %gt3A_275, %broadcast_in_dim3A_278, %broadcast_in_dim3A_279 : vector<16xi1>, vector<16xf32>
        %add3A_281 = arith.addf %add3A_203, %select_n3A_280 : vector<16xf32>
        %scan3A_282 = arith.constant 2 : i32
        %scan3A_283 = arith.addi %scan3A_129, %scan3A_282 : i32
        %mul3A_284 = arith.constant 16 : i32
        %mul3A_285 = arith.muli %scan3A_283, %mul3A_284 : i32
        %get3A_286 = arith.constant 0 : i32
        %get3A_287 = arith.index_cast %get3A_286 : i32 to index
        %get3A_288 = arith.index_cast %mul3A_285 : i32 to index
        %get3A_289 = tpu.vector_load %arg12[%get3A_287, %get3A_288] {strides = array<i32>} : memref<1x2048xi32, #tpu.memory_space<vmem>>, vector<16xi32>,
        %mul3A_290 = arith.constant 16 : i32
        %mul3A_291 = arith.muli %scan3A_283, %mul3A_290 : i32
        %get3A_292 = arith.constant 0 : i32
        %get3A_293 = arith.index_cast %get3A_292 : i32 to index
        %get3A_294 = arith.index_cast %mul3A_291 : i32 to index
        %get3A_295 = tpu.vector_load %arg14[%get3A_293, %get3A_294] {strides = array<i32>} : memref<1x2048xi32, #tpu.memory_space<vmem>>, vector<16xi32>,
        %mul3A_296 = arith.constant 16 : i32
        %mul3A_297 = arith.muli %scan3A_283, %mul3A_296 : i32
        %get3A_298 = arith.constant 0 : i32
        %get3A_299 = arith.index_cast %get3A_298 : i32 to index
        %get3A_300 = arith.index_cast %mul3A_297 : i32 to index
        %get3A_301 = tpu.vector_load %arg16[%get3A_299, %get3A_300] {strides = array<i32>} : memref<1x2048xi32, #tpu.memory_space<vmem>>, vector<16xi32>,
        %gather3A_302 = tpu.vector_load_idx %arg10[%get3A_289] : memref<100000xi32, #tpu.memory_space<vmem>>[vector<16xi32>], vector<16xi32>,
        %gather3A_303 = tpu.vector_load_idx %arg10[%get3A_295] : memref<100000xi32, #tpu.memory_space<vmem>>[vector<16xi32>], vector<16xi32>,
        %gather3A_304 = tpu.vector_load_idx %arg10[%get3A_301] : memref<100000xi32, #tpu.memory_space<vmem>>[vector<16xi32>], vector<16xi32>,
        %shift_left3A_305 = arith.constant 16 : i32
        %shift_left3A_306 = vector.broadcast %shift_left3A_305 : i32 to vector<16xi32>
        %shift_left3A_307 = arith.shli %gather3A_302, %shift_left3A_306 : vector<16xi32>
        %bitcast3A_308 = vector.bitcast %shift_left3A_307 : vector<16xi32> to vector<16xf32>
        %and3A_309 = arith.constant -65536 : i32
        %and3A_310 = vector.broadcast %and3A_309 : i32 to vector<16xi32>
        %and3A_311 = arith.andi %gather3A_302, %and3A_310 : vector<16xi32>
        %bitcast3A_312 = vector.bitcast %and3A_311 : vector<16xi32> to vector<16xf32>
        %shift_left3A_313 = arith.constant 16 : i32
        %shift_left3A_314 = vector.broadcast %shift_left3A_313 : i32 to vector<16xi32>
        %shift_left3A_315 = arith.shli %gather3A_303, %shift_left3A_314 : vector<16xi32>
        %bitcast3A_316 = vector.bitcast %shift_left3A_315 : vector<16xi32> to vector<16xf32>
        %and3A_317 = arith.constant -65536 : i32
        %and3A_318 = vector.broadcast %and3A_317 : i32 to vector<16xi32>
        %and3A_319 = arith.andi %gather3A_303, %and3A_318 : vector<16xi32>
        %bitcast3A_320 = vector.bitcast %and3A_319 : vector<16xi32> to vector<16xf32>
        %shift_left3A_321 = arith.constant 16 : i32
        %shift_left3A_322 = vector.broadcast %shift_left3A_321 : i32 to vector<16xi32>
        %shift_left3A_323 = arith.shli %gather3A_304, %shift_left3A_322 : vector<16xi32>
        %bitcast3A_324 = vector.bitcast %shift_left3A_323 : vector<16xi32> to vector<16xf32>
        %and3A_325 = arith.constant -65536 : i32
        %and3A_326 = vector.broadcast %and3A_325 : i32 to vector<16xi32>
        %and3A_327 = arith.andi %gather3A_304, %and3A_326 : vector<16xi32>
        %bitcast3A_328 = vector.bitcast %and3A_327 : vector<16xi32> to vector<16xf32>
        %sub3A_329 = arith.subf %bitcast3A_308, %bitcast3A_316 : vector<16xf32>
        %sub3A_330 = arith.subf %bitcast3A_312, %bitcast3A_320 : vector<16xf32>
        %sub3A_331 = arith.subf %bitcast3A_308, %bitcast3A_324 : vector<16xf32>
        %sub3A_332 = arith.subf %bitcast3A_312, %bitcast3A_328 : vector<16xf32>
        %mul3A_333 = arith.mulf %sub3A_329, %sub3A_329 : vector<16xf32>
        %mul3A_334 = arith.mulf %sub3A_330, %sub3A_330 : vector<16xf32>
        %add3A_335 = arith.addf %mul3A_333, %mul3A_334 : vector<16xf32>
        %add3A_336 = arith.constant 1.000000e+00 : f32
        %add3A_337 = vector.broadcast %add3A_336 : f32 to vector<16xf32>
        %add3A_338 = arith.addf %add3A_337, %add3A_335 : vector<16xf32>
        %mul3A_339 = arith.mulf %sub3A_331, %sub3A_331 : vector<16xf32>
        %mul3A_340 = arith.mulf %sub3A_332, %sub3A_332 : vector<16xf32>
        %add3A_341 = arith.addf %mul3A_339, %mul3A_340 : vector<16xf32>
        %add3A_342 = arith.constant 1.000000e+00 : f32
        %add3A_343 = vector.broadcast %add3A_342 : f32 to vector<16xf32>
        %add3A_344 = arith.addf %add3A_343, %add3A_341 : vector<16xf32>
        %mul3A_345 = arith.constant 16 : i32
        %mul3A_346 = arith.muli %scan3A_283, %mul3A_345 : i32
        %get3A_347 = arith.index_cast %mul3A_346 : i32 to index
        %get3A_348 = tpu.vector_load %arg18[%get3A_347] {strides = array<i32>} : memref<2048xf32, #tpu.memory_space<vmem>>, vector<16xf32>,
        %mul3A_349 = arith.mulf %get3A_348, %add3A_338 : vector<16xf32>
        %add3A_350 = arith.addf %add3A_338, %add3A_344 : vector<16xf32>
        %div3A_351 = arith.divf %mul3A_349, %add3A_350 : vector<16xf32>
        %add3A_352 = arith.addf %add3A_274, %div3A_351 : vector<16xf32>
        %gt3A_353 = arith.cmpf ogt, %add3A_338, %add3A_344 : vector<16xf32>
        %jit3A_354 = arith.constant 1.000000e+00 : f32
        %jit3A_355 = arith.constant 0.000000e+00 : f32
        %broadcast_in_dim3A_356 = vector.broadcast %jit3A_354 : f32 to vector<16xf32>
        %broadcast_in_dim3A_357 = vector.broadcast %jit3A_355 : f32 to vector<16xf32>
        %select_n3A_358 = arith.select %gt3A_353, %broadcast_in_dim3A_356, %broadcast_in_dim3A_357 : vector<16xi1>, vector<16xf32>
        %add3A_359 = arith.addf %add3A_281, %select_n3A_358 : vector<16xf32>
        %scan3A_360 = arith.constant 3 : i32
        %scan3A_361 = arith.addi %scan3A_129, %scan3A_360 : i32
        %mul3A_362 = arith.constant 16 : i32
        %mul3A_363 = arith.muli %scan3A_361, %mul3A_362 : i32
        %get3A_364 = arith.constant 0 : i32
        %get3A_365 = arith.index_cast %get3A_364 : i32 to index
        %get3A_366 = arith.index_cast %mul3A_363 : i32 to index
        %get3A_367 = tpu.vector_load %arg12[%get3A_365, %get3A_366] {strides = array<i32>} : memref<1x2048xi32, #tpu.memory_space<vmem>>, vector<16xi32>,
        %mul3A_368 = arith.constant 16 : i32
        %mul3A_369 = arith.muli %scan3A_361, %mul3A_368 : i32
        %get3A_370 = arith.constant 0 : i32
        %get3A_371 = arith.index_cast %get3A_370 : i32 to index
        %get3A_372 = arith.index_cast %mul3A_369 : i32 to index
        %get3A_373 = tpu.vector_load %arg14[%get3A_371, %get3A_372] {strides = array<i32>} : memref<1x2048xi32, #tpu.memory_space<vmem>>, vector<16xi32>,
        %mul3A_374 = arith.constant 16 : i32
        %mul3A_375 = arith.muli %scan3A_361, %mul3A_374 : i32
        %get3A_376 = arith.constant 0 : i32
        %get3A_377 = arith.index_cast %get3A_376 : i32 to index
        %get3A_378 = arith.index_cast %mul3A_375 : i32 to index
        %get3A_379 = tpu.vector_load %arg16[%get3A_377, %get3A_378] {strides = array<i32>} : memref<1x2048xi32, #tpu.memory_space<vmem>>, vector<16xi32>,
        %gather3A_380 = tpu.vector_load_idx %arg10[%get3A_367] : memref<100000xi32, #tpu.memory_space<vmem>>[vector<16xi32>], vector<16xi32>,
        %gather3A_381 = tpu.vector_load_idx %arg10[%get3A_373] : memref<100000xi32, #tpu.memory_space<vmem>>[vector<16xi32>], vector<16xi32>,
        %gather3A_382 = tpu.vector_load_idx %arg10[%get3A_379] : memref<100000xi32, #tpu.memory_space<vmem>>[vector<16xi32>], vector<16xi32>,
        %shift_left3A_383 = arith.constant 16 : i32
        %shift_left3A_384 = vector.broadcast %shift_left3A_383 : i32 to vector<16xi32>
        %shift_left3A_385 = arith.shli %gather3A_380, %shift_left3A_384 : vector<16xi32>
        %bitcast3A_386 = vector.bitcast %shift_left3A_385 : vector<16xi32> to vector<16xf32>
        %and3A_387 = arith.constant -65536 : i32
        %and3A_388 = vector.broadcast %and3A_387 : i32 to vector<16xi32>
        %and3A_389 = arith.andi %gather3A_380, %and3A_388 : vector<16xi32>
        %bitcast3A_390 = vector.bitcast %and3A_389 : vector<16xi32> to vector<16xf32>
        %shift_left3A_391 = arith.constant 16 : i32
        %shift_left3A_392 = vector.broadcast %shift_left3A_391 : i32 to vector<16xi32>
        %shift_left3A_393 = arith.shli %gather3A_381, %shift_left3A_392 : vector<16xi32>
        %bitcast3A_394 = vector.bitcast %shift_left3A_393 : vector<16xi32> to vector<16xf32>
        %and3A_395 = arith.constant -65536 : i32
        %and3A_396 = vector.broadcast %and3A_395 : i32 to vector<16xi32>
        %and3A_397 = arith.andi %gather3A_381, %and3A_396 : vector<16xi32>
        %bitcast3A_398 = vector.bitcast %and3A_397 : vector<16xi32> to vector<16xf32>
        %shift_left3A_399 = arith.constant 16 : i32
        %shift_left3A_400 = vector.broadcast %shift_left3A_399 : i32 to vector<16xi32>
        %shift_left3A_401 = arith.shli %gather3A_382, %shift_left3A_400 : vector<16xi32>
        %bitcast3A_402 = vector.bitcast %shift_left3A_401 : vector<16xi32> to vector<16xf32>
        %and3A_403 = arith.constant -65536 : i32
        %and3A_404 = vector.broadcast %and3A_403 : i32 to vector<16xi32>
        %and3A_405 = arith.andi %gather3A_382, %and3A_404 : vector<16xi32>
        %bitcast3A_406 = vector.bitcast %and3A_405 : vector<16xi32> to vector<16xf32>
        %sub3A_407 = arith.subf %bitcast3A_386, %bitcast3A_394 : vector<16xf32>
        %sub3A_408 = arith.subf %bitcast3A_390, %bitcast3A_398 : vector<16xf32>
        %sub3A_409 = arith.subf %bitcast3A_386, %bitcast3A_402 : vector<16xf32>
        %sub3A_410 = arith.subf %bitcast3A_390, %bitcast3A_406 : vector<16xf32>
        %mul3A_411 = arith.mulf %sub3A_407, %sub3A_407 : vector<16xf32>
        %mul3A_412 = arith.mulf %sub3A_408, %sub3A_408 : vector<16xf32>
        %add3A_413 = arith.addf %mul3A_411, %mul3A_412 : vector<16xf32>
        %add3A_414 = arith.constant 1.000000e+00 : f32
        %add3A_415 = vector.broadcast %add3A_414 : f32 to vector<16xf32>
        %add3A_416 = arith.addf %add3A_415, %add3A_413 : vector<16xf32>
        %mul3A_417 = arith.mulf %sub3A_409, %sub3A_409 : vector<16xf32>
        %mul3A_418 = arith.mulf %sub3A_410, %sub3A_410 : vector<16xf32>
        %add3A_419 = arith.addf %mul3A_417, %mul3A_418 : vector<16xf32>
        %add3A_420 = arith.constant 1.000000e+00 : f32
        %add3A_421 = vector.broadcast %add3A_420 : f32 to vector<16xf32>
        %add3A_422 = arith.addf %add3A_421, %add3A_419 : vector<16xf32>
        %mul3A_423 = arith.constant 16 : i32
        %mul3A_424 = arith.muli %scan3A_361, %mul3A_423 : i32
        %get3A_425 = arith.index_cast %mul3A_424 : i32 to index
        %get3A_426 = tpu.vector_load %arg18[%get3A_425] {strides = array<i32>} : memref<2048xf32, #tpu.memory_space<vmem>>, vector<16xf32>,
        %mul3A_427 = arith.mulf %get3A_426, %add3A_416 : vector<16xf32>
        %add3A_428 = arith.addf %add3A_416, %add3A_422 : vector<16xf32>
        %div3A_429 = arith.divf %mul3A_427, %add3A_428 : vector<16xf32>
        %add3A_430 = arith.addf %add3A_352, %div3A_429 : vector<16xf32>
        %gt3A_431 = arith.cmpf ogt, %add3A_416, %add3A_422 : vector<16xf32>
        %jit3A_432 = arith.constant 1.000000e+00 : f32
        %jit3A_433 = arith.constant 0.000000e+00 : f32
        %broadcast_in_dim3A_434 = vector.broadcast %jit3A_432 : f32 to vector<16xf32>
        %broadcast_in_dim3A_435 = vector.broadcast %jit3A_433 : f32 to vector<16xf32>
        %select_n3A_436 = arith.select %gt3A_431, %broadcast_in_dim3A_434, %broadcast_in_dim3A_435 : vector<16xi1>, vector<16xf32>
        %add3A_437 = arith.addf %add3A_359, %select_n3A_436 : vector<16xf32>
        scf.yield %add3A_430, %add3A_437 : vector<16xf32>, vector<16xf32>
      }
      %scan3A_128 = arith.constant 128 : i32
      scf.yield %scan3A_127#0, %scan3A_127#1 : vector<16xf32>, vector<16xf32>
    }
    %while3A_58 = arith.constant 1 : i32
    %while3A_59:2 = scf.for %while3A_67 = %while3A_55 to %while3A_51 step %while3A_58 iter_args(%while3A_68 = %while3A_57#0, %while3A_69 = %while3A_57#1) -> (vector<16xf32>, vector<16xf32>)  : i32 {
      %mul3A_70 = arith.constant 2 : i32
      %mul3A_71 = arith.muli %mul3A_70, %while3A_67 : i32
      %mul3A_72 = arith.constant 2048 : i32
      %mul3A_73 = arith.muli %mul3A_71, %mul3A_72 : i32
      %add3A_74 = arith.addi %mul3A_2, %mul3A_73 : i32
      %dma_wait3A = arith.constant 0 : i32
      %dma_wait3A_75 = tpu.memref_slice %arg3[%dma_wait3A, %add3A_74] : memref<3x1000000xi32, #tpu.memory_space<hbm>> -> memref<1x2048xi32, #tpu.memory_space<hbm>>
      %dma_wait3A_76 = arith.constant 0 : i32
      %dma_wait3A_77 = tpu.memref_slice %arg3[%dma_wait3A_76, %add3A_74] : memref<3x1000000xi32, #tpu.memory_space<hbm>> -> memref<1x2048xi32, #tpu.memory_space<hbm>>
      tpu.wait_dma2 semaphore(%arg24 : memref<!tpu.dma_semaphore, #tpu.memory_space<semaphore_mem>>) src(%dma_wait3A_77 : memref<1x2048xi32, #tpu.memory_space<hbm>>) dst(%arg11 : memref<1x2048xi32, #tpu.memory_space<vmem>>)
      %dma_wait3A_78 = arith.constant 1 : i32
      %dma_wait3A_79 = tpu.memref_slice %arg3[%dma_wait3A_78, %add3A_74] : memref<3x1000000xi32, #tpu.memory_space<hbm>> -> memref<1x2048xi32, #tpu.memory_space<hbm>>
      %dma_wait3A_80 = arith.constant 1 : i32
      %dma_wait3A_81 = tpu.memref_slice %arg3[%dma_wait3A_80, %add3A_74] : memref<3x1000000xi32, #tpu.memory_space<hbm>> -> memref<1x2048xi32, #tpu.memory_space<hbm>>
      tpu.wait_dma2 semaphore(%arg24 : memref<!tpu.dma_semaphore, #tpu.memory_space<semaphore_mem>>) src(%dma_wait3A_81 : memref<1x2048xi32, #tpu.memory_space<hbm>>) dst(%arg13 : memref<1x2048xi32, #tpu.memory_space<vmem>>)
      %dma_wait3A_82 = arith.constant 2 : i32
      %dma_wait3A_83 = tpu.memref_slice %arg3[%dma_wait3A_82, %add3A_74] : memref<3x1000000xi32, #tpu.memory_space<hbm>> -> memref<1x2048xi32, #tpu.memory_space<hbm>>
      %dma_wait3A_84 = arith.constant 2 : i32
      %dma_wait3A_85 = tpu.memref_slice %arg3[%dma_wait3A_84, %add3A_74] : memref<3x1000000xi32, #tpu.memory_space<hbm>> -> memref<1x2048xi32, #tpu.memory_space<hbm>>
      tpu.wait_dma2 semaphore(%arg24 : memref<!tpu.dma_semaphore, #tpu.memory_space<semaphore_mem>>) src(%dma_wait3A_85 : memref<1x2048xi32, #tpu.memory_space<hbm>>) dst(%arg15 : memref<1x2048xi32, #tpu.memory_space<vmem>>)
      %dma_wait3A_86 = tpu.memref_slice %arg4[%add3A_74] : memref<1000000xf32, #tpu.memory_space<hbm>> -> memref<2048xf32, #tpu.memory_space<hbm>>
      %dma_wait3A_87 = tpu.memref_slice %arg4[%add3A_74] : memref<1000000xf32, #tpu.memory_space<hbm>> -> memref<2048xf32, #tpu.memory_space<hbm>>
      tpu.wait_dma2 semaphore(%arg24 : memref<!tpu.dma_semaphore, #tpu.memory_space<semaphore_mem>>) src(%dma_wait3A_87 : memref<2048xf32, #tpu.memory_space<hbm>>) dst(%arg17 : memref<2048xf32, #tpu.memory_space<vmem>>)
      %add3A_88 = arith.constant 2 : i32
      %add3A_89 = arith.addi %mul3A_71, %add3A_88 : i32
      %lt3A = arith.cmpi slt, %add3A_89, %min3A : i32
      %convert_element_type3A_90 = arith.extui %lt3A : i1 to i32
      %cond3A_91 = arith.constant 0 : i32
      %cond3A_92 = arith.cmpi ne, %convert_element_type3A_90, %cond3A_91 : i32
      scf.if %cond3A_92 {
        %add3A_129 = arith.constant 2 : i32
        %add3A_130 = arith.addi %mul3A_71, %add3A_129 : i32
        %mul3A_131 = arith.constant 2048 : i32
        %mul3A_132 = arith.muli %add3A_130, %mul3A_131 : i32
        %add3A_133 = arith.addi %mul3A_2, %mul3A_132 : i32
        %dma_start3A = arith.constant 0 : i32
        %dma_start3A_134 = tpu.memref_slice %arg3[%dma_start3A, %add3A_133] : memref<3x1000000xi32, #tpu.memory_space<hbm>> -> memref<1x2048xi32, #tpu.memory_space<hbm>>
        %dma_start3A_135 = arith.constant 0 : i32
        %dma_start3A_136 = tpu.memref_slice %arg3[%dma_start3A_135, %add3A_133] : memref<3x1000000xi32, #tpu.memory_space<hbm>> -> memref<1x2048xi32, #tpu.memory_space<hbm>>
        tpu.enqueue_dma source(%dma_start3A_136 : memref<1x2048xi32, #tpu.memory_space<hbm>>) target(%arg11 : memref<1x2048xi32, #tpu.memory_space<vmem>>) target_semaphore(%arg24 : memref<!tpu.dma_semaphore, #tpu.memory_space<semaphore_mem>>)
        %dma_start3A_137 = arith.constant 1 : i32
        %dma_start3A_138 = tpu.memref_slice %arg3[%dma_start3A_137, %add3A_133] : memref<3x1000000xi32, #tpu.memory_space<hbm>> -> memref<1x2048xi32, #tpu.memory_space<hbm>>
        %dma_start3A_139 = arith.constant 1 : i32
        %dma_start3A_140 = tpu.memref_slice %arg3[%dma_start3A_139, %add3A_133] : memref<3x1000000xi32, #tpu.memory_space<hbm>> -> memref<1x2048xi32, #tpu.memory_space<hbm>>
        tpu.enqueue_dma source(%dma_start3A_140 : memref<1x2048xi32, #tpu.memory_space<hbm>>) target(%arg13 : memref<1x2048xi32, #tpu.memory_space<vmem>>) target_semaphore(%arg24 : memref<!tpu.dma_semaphore, #tpu.memory_space<semaphore_mem>>)
        %dma_start3A_141 = arith.constant 2 : i32
        %dma_start3A_142 = tpu.memref_slice %arg3[%dma_start3A_141, %add3A_133] : memref<3x1000000xi32, #tpu.memory_space<hbm>> -> memref<1x2048xi32, #tpu.memory_space<hbm>>
        %dma_start3A_143 = arith.constant 2 : i32
        %dma_start3A_144 = tpu.memref_slice %arg3[%dma_start3A_143, %add3A_133] : memref<3x1000000xi32, #tpu.memory_space<hbm>> -> memref<1x2048xi32, #tpu.memory_space<hbm>>
        tpu.enqueue_dma source(%dma_start3A_144 : memref<1x2048xi32, #tpu.memory_space<hbm>>) target(%arg15 : memref<1x2048xi32, #tpu.memory_space<vmem>>) target_semaphore(%arg24 : memref<!tpu.dma_semaphore, #tpu.memory_space<semaphore_mem>>)
        %dma_start3A_145 = tpu.memref_slice %arg4[%add3A_133] : memref<1000000xf32, #tpu.memory_space<hbm>> -> memref<2048xf32, #tpu.memory_space<hbm>>
        %dma_start3A_146 = tpu.memref_slice %arg4[%add3A_133] : memref<1000000xf32, #tpu.memory_space<hbm>> -> memref<2048xf32, #tpu.memory_space<hbm>>
        tpu.enqueue_dma source(%dma_start3A_146 : memref<2048xf32, #tpu.memory_space<hbm>>) target(%arg17 : memref<2048xf32, #tpu.memory_space<vmem>>) target_semaphore(%arg24 : memref<!tpu.dma_semaphore, #tpu.memory_space<semaphore_mem>>)
      } else {
      }
      %scan3A = arith.constant 0 : i32
      %scan3A_93 = arith.constant 128 : i32
      %scan3A_94 = arith.addi %scan3A, %scan3A_93 : i32
      %scan3A_95 = arith.constant 4 : i32
      %scan3A_96:2 = scf.for %scan3A_129 = %scan3A to %scan3A_94 step %scan3A_95 iter_args(%scan3A_130 = %while3A_68, %scan3A_131 = %while3A_69) -> (vector<16xf32>, vector<16xf32>)  : i32 {
        %mul3A_132 = arith.constant 16 : i32
        %mul3A_133 = arith.muli %scan3A_129, %mul3A_132 : i32
        %get3A = arith.constant 0 : i32
        %get3A_134 = arith.index_cast %get3A : i32 to index
        %get3A_135 = arith.index_cast %mul3A_133 : i32 to index
        %get3A_136 = tpu.vector_load %arg11[%get3A_134, %get3A_135] {strides = array<i32>} : memref<1x2048xi32, #tpu.memory_space<vmem>>, vector<16xi32>,
        %mul3A_137 = arith.constant 16 : i32
        %mul3A_138 = arith.muli %scan3A_129, %mul3A_137 : i32
        %get3A_139 = arith.constant 0 : i32
        %get3A_140 = arith.index_cast %get3A_139 : i32 to index
        %get3A_141 = arith.index_cast %mul3A_138 : i32 to index
        %get3A_142 = tpu.vector_load %arg13[%get3A_140, %get3A_141] {strides = array<i32>} : memref<1x2048xi32, #tpu.memory_space<vmem>>, vector<16xi32>,
        %mul3A_143 = arith.constant 16 : i32
        %mul3A_144 = arith.muli %scan3A_129, %mul3A_143 : i32
        %get3A_145 = arith.constant 0 : i32
        %get3A_146 = arith.index_cast %get3A_145 : i32 to index
        %get3A_147 = arith.index_cast %mul3A_144 : i32 to index
        %get3A_148 = tpu.vector_load %arg15[%get3A_146, %get3A_147] {strides = array<i32>} : memref<1x2048xi32, #tpu.memory_space<vmem>>, vector<16xi32>,
        %gather3A = tpu.vector_load_idx %arg10[%get3A_136] : memref<100000xi32, #tpu.memory_space<vmem>>[vector<16xi32>], vector<16xi32>,
        %gather3A_149 = tpu.vector_load_idx %arg10[%get3A_142] : memref<100000xi32, #tpu.memory_space<vmem>>[vector<16xi32>], vector<16xi32>,
        %gather3A_150 = tpu.vector_load_idx %arg10[%get3A_148] : memref<100000xi32, #tpu.memory_space<vmem>>[vector<16xi32>], vector<16xi32>,
        %shift_left3A = arith.constant 16 : i32
        %shift_left3A_151 = vector.broadcast %shift_left3A : i32 to vector<16xi32>
        %shift_left3A_152 = arith.shli %gather3A, %shift_left3A_151 : vector<16xi32>
        %bitcast3A = vector.bitcast %shift_left3A_152 : vector<16xi32> to vector<16xf32>
        %and3A_153 = arith.constant -65536 : i32
        %and3A_154 = vector.broadcast %and3A_153 : i32 to vector<16xi32>
        %and3A_155 = arith.andi %gather3A, %and3A_154 : vector<16xi32>
        %bitcast3A_156 = vector.bitcast %and3A_155 : vector<16xi32> to vector<16xf32>
        %shift_left3A_157 = arith.constant 16 : i32
        %shift_left3A_158 = vector.broadcast %shift_left3A_157 : i32 to vector<16xi32>
        %shift_left3A_159 = arith.shli %gather3A_149, %shift_left3A_158 : vector<16xi32>
        %bitcast3A_160 = vector.bitcast %shift_left3A_159 : vector<16xi32> to vector<16xf32>
        %and3A_161 = arith.constant -65536 : i32
        %and3A_162 = vector.broadcast %and3A_161 : i32 to vector<16xi32>
        %and3A_163 = arith.andi %gather3A_149, %and3A_162 : vector<16xi32>
        %bitcast3A_164 = vector.bitcast %and3A_163 : vector<16xi32> to vector<16xf32>
        %shift_left3A_165 = arith.constant 16 : i32
        %shift_left3A_166 = vector.broadcast %shift_left3A_165 : i32 to vector<16xi32>
        %shift_left3A_167 = arith.shli %gather3A_150, %shift_left3A_166 : vector<16xi32>
        %bitcast3A_168 = vector.bitcast %shift_left3A_167 : vector<16xi32> to vector<16xf32>
        %and3A_169 = arith.constant -65536 : i32
        %and3A_170 = vector.broadcast %and3A_169 : i32 to vector<16xi32>
        %and3A_171 = arith.andi %gather3A_150, %and3A_170 : vector<16xi32>
        %bitcast3A_172 = vector.bitcast %and3A_171 : vector<16xi32> to vector<16xf32>
        %sub3A_173 = arith.subf %bitcast3A, %bitcast3A_160 : vector<16xf32>
        %sub3A_174 = arith.subf %bitcast3A_156, %bitcast3A_164 : vector<16xf32>
        %sub3A_175 = arith.subf %bitcast3A, %bitcast3A_168 : vector<16xf32>
        %sub3A_176 = arith.subf %bitcast3A_156, %bitcast3A_172 : vector<16xf32>
        %mul3A_177 = arith.mulf %sub3A_173, %sub3A_173 : vector<16xf32>
        %mul3A_178 = arith.mulf %sub3A_174, %sub3A_174 : vector<16xf32>
        %add3A_179 = arith.addf %mul3A_177, %mul3A_178 : vector<16xf32>
        %add3A_180 = arith.constant 1.000000e+00 : f32
        %add3A_181 = vector.broadcast %add3A_180 : f32 to vector<16xf32>
        %add3A_182 = arith.addf %add3A_181, %add3A_179 : vector<16xf32>
        %mul3A_183 = arith.mulf %sub3A_175, %sub3A_175 : vector<16xf32>
        %mul3A_184 = arith.mulf %sub3A_176, %sub3A_176 : vector<16xf32>
        %add3A_185 = arith.addf %mul3A_183, %mul3A_184 : vector<16xf32>
        %add3A_186 = arith.constant 1.000000e+00 : f32
        %add3A_187 = vector.broadcast %add3A_186 : f32 to vector<16xf32>
        %add3A_188 = arith.addf %add3A_187, %add3A_185 : vector<16xf32>
        %mul3A_189 = arith.constant 16 : i32
        %mul3A_190 = arith.muli %scan3A_129, %mul3A_189 : i32
        %get3A_191 = arith.index_cast %mul3A_190 : i32 to index
        %get3A_192 = tpu.vector_load %arg17[%get3A_191] {strides = array<i32>} : memref<2048xf32, #tpu.memory_space<vmem>>, vector<16xf32>,
        %mul3A_193 = arith.mulf %get3A_192, %add3A_182 : vector<16xf32>
        %add3A_194 = arith.addf %add3A_182, %add3A_188 : vector<16xf32>
        %div3A_195 = arith.divf %mul3A_193, %add3A_194 : vector<16xf32>
        %add3A_196 = arith.addf %scan3A_130, %div3A_195 : vector<16xf32>
        %gt3A_197 = arith.cmpf ogt, %add3A_182, %add3A_188 : vector<16xf32>
        %jit3A_198 = arith.constant 1.000000e+00 : f32
        %jit3A_199 = arith.constant 0.000000e+00 : f32
        %broadcast_in_dim3A_200 = vector.broadcast %jit3A_198 : f32 to vector<16xf32>
        %broadcast_in_dim3A_201 = vector.broadcast %jit3A_199 : f32 to vector<16xf32>
        %select_n3A_202 = arith.select %gt3A_197, %broadcast_in_dim3A_200, %broadcast_in_dim3A_201 : vector<16xi1>, vector<16xf32>
        %add3A_203 = arith.addf %scan3A_131, %select_n3A_202 : vector<16xf32>
        %scan3A_204 = arith.constant 1 : i32
        %scan3A_205 = arith.addi %scan3A_129, %scan3A_204 : i32
        %mul3A_206 = arith.constant 16 : i32
        %mul3A_207 = arith.muli %scan3A_205, %mul3A_206 : i32
        %get3A_208 = arith.constant 0 : i32
        %get3A_209 = arith.index_cast %get3A_208 : i32 to index
        %get3A_210 = arith.index_cast %mul3A_207 : i32 to index
        %get3A_211 = tpu.vector_load %arg11[%get3A_209, %get3A_210] {strides = array<i32>} : memref<1x2048xi32, #tpu.memory_space<vmem>>, vector<16xi32>,
        %mul3A_212 = arith.constant 16 : i32
        %mul3A_213 = arith.muli %scan3A_205, %mul3A_212 : i32
        %get3A_214 = arith.constant 0 : i32
        %get3A_215 = arith.index_cast %get3A_214 : i32 to index
        %get3A_216 = arith.index_cast %mul3A_213 : i32 to index
        %get3A_217 = tpu.vector_load %arg13[%get3A_215, %get3A_216] {strides = array<i32>} : memref<1x2048xi32, #tpu.memory_space<vmem>>, vector<16xi32>,
        %mul3A_218 = arith.constant 16 : i32
        %mul3A_219 = arith.muli %scan3A_205, %mul3A_218 : i32
        %get3A_220 = arith.constant 0 : i32
        %get3A_221 = arith.index_cast %get3A_220 : i32 to index
        %get3A_222 = arith.index_cast %mul3A_219 : i32 to index
        %get3A_223 = tpu.vector_load %arg15[%get3A_221, %get3A_222] {strides = array<i32>} : memref<1x2048xi32, #tpu.memory_space<vmem>>, vector<16xi32>,
        %gather3A_224 = tpu.vector_load_idx %arg10[%get3A_211] : memref<100000xi32, #tpu.memory_space<vmem>>[vector<16xi32>], vector<16xi32>,
        %gather3A_225 = tpu.vector_load_idx %arg10[%get3A_217] : memref<100000xi32, #tpu.memory_space<vmem>>[vector<16xi32>], vector<16xi32>,
        %gather3A_226 = tpu.vector_load_idx %arg10[%get3A_223] : memref<100000xi32, #tpu.memory_space<vmem>>[vector<16xi32>], vector<16xi32>,
        %shift_left3A_227 = arith.constant 16 : i32
        %shift_left3A_228 = vector.broadcast %shift_left3A_227 : i32 to vector<16xi32>
        %shift_left3A_229 = arith.shli %gather3A_224, %shift_left3A_228 : vector<16xi32>
        %bitcast3A_230 = vector.bitcast %shift_left3A_229 : vector<16xi32> to vector<16xf32>
        %and3A_231 = arith.constant -65536 : i32
        %and3A_232 = vector.broadcast %and3A_231 : i32 to vector<16xi32>
        %and3A_233 = arith.andi %gather3A_224, %and3A_232 : vector<16xi32>
        %bitcast3A_234 = vector.bitcast %and3A_233 : vector<16xi32> to vector<16xf32>
        %shift_left3A_235 = arith.constant 16 : i32
        %shift_left3A_236 = vector.broadcast %shift_left3A_235 : i32 to vector<16xi32>
        %shift_left3A_237 = arith.shli %gather3A_225, %shift_left3A_236 : vector<16xi32>
        %bitcast3A_238 = vector.bitcast %shift_left3A_237 : vector<16xi32> to vector<16xf32>
        %and3A_239 = arith.constant -65536 : i32
        %and3A_240 = vector.broadcast %and3A_239 : i32 to vector<16xi32>
        %and3A_241 = arith.andi %gather3A_225, %and3A_240 : vector<16xi32>
        %bitcast3A_242 = vector.bitcast %and3A_241 : vector<16xi32> to vector<16xf32>
        %shift_left3A_243 = arith.constant 16 : i32
        %shift_left3A_244 = vector.broadcast %shift_left3A_243 : i32 to vector<16xi32>
        %shift_left3A_245 = arith.shli %gather3A_226, %shift_left3A_244 : vector<16xi32>
        %bitcast3A_246 = vector.bitcast %shift_left3A_245 : vector<16xi32> to vector<16xf32>
        %and3A_247 = arith.constant -65536 : i32
        %and3A_248 = vector.broadcast %and3A_247 : i32 to vector<16xi32>
        %and3A_249 = arith.andi %gather3A_226, %and3A_248 : vector<16xi32>
        %bitcast3A_250 = vector.bitcast %and3A_249 : vector<16xi32> to vector<16xf32>
        %sub3A_251 = arith.subf %bitcast3A_230, %bitcast3A_238 : vector<16xf32>
        %sub3A_252 = arith.subf %bitcast3A_234, %bitcast3A_242 : vector<16xf32>
        %sub3A_253 = arith.subf %bitcast3A_230, %bitcast3A_246 : vector<16xf32>
        %sub3A_254 = arith.subf %bitcast3A_234, %bitcast3A_250 : vector<16xf32>
        %mul3A_255 = arith.mulf %sub3A_251, %sub3A_251 : vector<16xf32>
        %mul3A_256 = arith.mulf %sub3A_252, %sub3A_252 : vector<16xf32>
        %add3A_257 = arith.addf %mul3A_255, %mul3A_256 : vector<16xf32>
        %add3A_258 = arith.constant 1.000000e+00 : f32
        %add3A_259 = vector.broadcast %add3A_258 : f32 to vector<16xf32>
        %add3A_260 = arith.addf %add3A_259, %add3A_257 : vector<16xf32>
        %mul3A_261 = arith.mulf %sub3A_253, %sub3A_253 : vector<16xf32>
        %mul3A_262 = arith.mulf %sub3A_254, %sub3A_254 : vector<16xf32>
        %add3A_263 = arith.addf %mul3A_261, %mul3A_262 : vector<16xf32>
        %add3A_264 = arith.constant 1.000000e+00 : f32
        %add3A_265 = vector.broadcast %add3A_264 : f32 to vector<16xf32>
        %add3A_266 = arith.addf %add3A_265, %add3A_263 : vector<16xf32>
        %mul3A_267 = arith.constant 16 : i32
        %mul3A_268 = arith.muli %scan3A_205, %mul3A_267 : i32
        %get3A_269 = arith.index_cast %mul3A_268 : i32 to index
        %get3A_270 = tpu.vector_load %arg17[%get3A_269] {strides = array<i32>} : memref<2048xf32, #tpu.memory_space<vmem>>, vector<16xf32>,
        %mul3A_271 = arith.mulf %get3A_270, %add3A_260 : vector<16xf32>
        %add3A_272 = arith.addf %add3A_260, %add3A_266 : vector<16xf32>
        %div3A_273 = arith.divf %mul3A_271, %add3A_272 : vector<16xf32>
        %add3A_274 = arith.addf %add3A_196, %div3A_273 : vector<16xf32>
        %gt3A_275 = arith.cmpf ogt, %add3A_260, %add3A_266 : vector<16xf32>
        %jit3A_276 = arith.constant 1.000000e+00 : f32
        %jit3A_277 = arith.constant 0.000000e+00 : f32
        %broadcast_in_dim3A_278 = vector.broadcast %jit3A_276 : f32 to vector<16xf32>
        %broadcast_in_dim3A_279 = vector.broadcast %jit3A_277 : f32 to vector<16xf32>
        %select_n3A_280 = arith.select %gt3A_275, %broadcast_in_dim3A_278, %broadcast_in_dim3A_279 : vector<16xi1>, vector<16xf32>
        %add3A_281 = arith.addf %add3A_203, %select_n3A_280 : vector<16xf32>
        %scan3A_282 = arith.constant 2 : i32
        %scan3A_283 = arith.addi %scan3A_129, %scan3A_282 : i32
        %mul3A_284 = arith.constant 16 : i32
        %mul3A_285 = arith.muli %scan3A_283, %mul3A_284 : i32
        %get3A_286 = arith.constant 0 : i32
        %get3A_287 = arith.index_cast %get3A_286 : i32 to index
        %get3A_288 = arith.index_cast %mul3A_285 : i32 to index
        %get3A_289 = tpu.vector_load %arg11[%get3A_287, %get3A_288] {strides = array<i32>} : memref<1x2048xi32, #tpu.memory_space<vmem>>, vector<16xi32>,
        %mul3A_290 = arith.constant 16 : i32
        %mul3A_291 = arith.muli %scan3A_283, %mul3A_290 : i32
        %get3A_292 = arith.constant 0 : i32
        %get3A_293 = arith.index_cast %get3A_292 : i32 to index
        %get3A_294 = arith.index_cast %mul3A_291 : i32 to index
        %get3A_295 = tpu.vector_load %arg13[%get3A_293, %get3A_294] {strides = array<i32>} : memref<1x2048xi32, #tpu.memory_space<vmem>>, vector<16xi32>,
        %mul3A_296 = arith.constant 16 : i32
        %mul3A_297 = arith.muli %scan3A_283, %mul3A_296 : i32
        %get3A_298 = arith.constant 0 : i32
        %get3A_299 = arith.index_cast %get3A_298 : i32 to index
        %get3A_300 = arith.index_cast %mul3A_297 : i32 to index
        %get3A_301 = tpu.vector_load %arg15[%get3A_299, %get3A_300] {strides = array<i32>} : memref<1x2048xi32, #tpu.memory_space<vmem>>, vector<16xi32>,
        %gather3A_302 = tpu.vector_load_idx %arg10[%get3A_289] : memref<100000xi32, #tpu.memory_space<vmem>>[vector<16xi32>], vector<16xi32>,
        %gather3A_303 = tpu.vector_load_idx %arg10[%get3A_295] : memref<100000xi32, #tpu.memory_space<vmem>>[vector<16xi32>], vector<16xi32>,
        %gather3A_304 = tpu.vector_load_idx %arg10[%get3A_301] : memref<100000xi32, #tpu.memory_space<vmem>>[vector<16xi32>], vector<16xi32>,
        %shift_left3A_305 = arith.constant 16 : i32
        %shift_left3A_306 = vector.broadcast %shift_left3A_305 : i32 to vector<16xi32>
        %shift_left3A_307 = arith.shli %gather3A_302, %shift_left3A_306 : vector<16xi32>
        %bitcast3A_308 = vector.bitcast %shift_left3A_307 : vector<16xi32> to vector<16xf32>
        %and3A_309 = arith.constant -65536 : i32
        %and3A_310 = vector.broadcast %and3A_309 : i32 to vector<16xi32>
        %and3A_311 = arith.andi %gather3A_302, %and3A_310 : vector<16xi32>
        %bitcast3A_312 = vector.bitcast %and3A_311 : vector<16xi32> to vector<16xf32>
        %shift_left3A_313 = arith.constant 16 : i32
        %shift_left3A_314 = vector.broadcast %shift_left3A_313 : i32 to vector<16xi32>
        %shift_left3A_315 = arith.shli %gather3A_303, %shift_left3A_314 : vector<16xi32>
        %bitcast3A_316 = vector.bitcast %shift_left3A_315 : vector<16xi32> to vector<16xf32>
        %and3A_317 = arith.constant -65536 : i32
        %and3A_318 = vector.broadcast %and3A_317 : i32 to vector<16xi32>
        %and3A_319 = arith.andi %gather3A_303, %and3A_318 : vector<16xi32>
        %bitcast3A_320 = vector.bitcast %and3A_319 : vector<16xi32> to vector<16xf32>
        %shift_left3A_321 = arith.constant 16 : i32
        %shift_left3A_322 = vector.broadcast %shift_left3A_321 : i32 to vector<16xi32>
        %shift_left3A_323 = arith.shli %gather3A_304, %shift_left3A_322 : vector<16xi32>
        %bitcast3A_324 = vector.bitcast %shift_left3A_323 : vector<16xi32> to vector<16xf32>
        %and3A_325 = arith.constant -65536 : i32
        %and3A_326 = vector.broadcast %and3A_325 : i32 to vector<16xi32>
        %and3A_327 = arith.andi %gather3A_304, %and3A_326 : vector<16xi32>
        %bitcast3A_328 = vector.bitcast %and3A_327 : vector<16xi32> to vector<16xf32>
        %sub3A_329 = arith.subf %bitcast3A_308, %bitcast3A_316 : vector<16xf32>
        %sub3A_330 = arith.subf %bitcast3A_312, %bitcast3A_320 : vector<16xf32>
        %sub3A_331 = arith.subf %bitcast3A_308, %bitcast3A_324 : vector<16xf32>
        %sub3A_332 = arith.subf %bitcast3A_312, %bitcast3A_328 : vector<16xf32>
        %mul3A_333 = arith.mulf %sub3A_329, %sub3A_329 : vector<16xf32>
        %mul3A_334 = arith.mulf %sub3A_330, %sub3A_330 : vector<16xf32>
        %add3A_335 = arith.addf %mul3A_333, %mul3A_334 : vector<16xf32>
        %add3A_336 = arith.constant 1.000000e+00 : f32
        %add3A_337 = vector.broadcast %add3A_336 : f32 to vector<16xf32>
        %add3A_338 = arith.addf %add3A_337, %add3A_335 : vector<16xf32>
        %mul3A_339 = arith.mulf %sub3A_331, %sub3A_331 : vector<16xf32>
        %mul3A_340 = arith.mulf %sub3A_332, %sub3A_332 : vector<16xf32>
        %add3A_341 = arith.addf %mul3A_339, %mul3A_340 : vector<16xf32>
        %add3A_342 = arith.constant 1.000000e+00 : f32
        %add3A_343 = vector.broadcast %add3A_342 : f32 to vector<16xf32>
        %add3A_344 = arith.addf %add3A_343, %add3A_341 : vector<16xf32>
        %mul3A_345 = arith.constant 16 : i32
        %mul3A_346 = arith.muli %scan3A_283, %mul3A_345 : i32
        %get3A_347 = arith.index_cast %mul3A_346 : i32 to index
        %get3A_348 = tpu.vector_load %arg17[%get3A_347] {strides = array<i32>} : memref<2048xf32, #tpu.memory_space<vmem>>, vector<16xf32>,
        %mul3A_349 = arith.mulf %get3A_348, %add3A_338 : vector<16xf32>
        %add3A_350 = arith.addf %add3A_338, %add3A_344 : vector<16xf32>
        %div3A_351 = arith.divf %mul3A_349, %add3A_350 : vector<16xf32>
        %add3A_352 = arith.addf %add3A_274, %div3A_351 : vector<16xf32>
        %gt3A_353 = arith.cmpf ogt, %add3A_338, %add3A_344 : vector<16xf32>
        %jit3A_354 = arith.constant 1.000000e+00 : f32
        %jit3A_355 = arith.constant 0.000000e+00 : f32
        %broadcast_in_dim3A_356 = vector.broadcast %jit3A_354 : f32 to vector<16xf32>
        %broadcast_in_dim3A_357 = vector.broadcast %jit3A_355 : f32 to vector<16xf32>
        %select_n3A_358 = arith.select %gt3A_353, %broadcast_in_dim3A_356, %broadcast_in_dim3A_357 : vector<16xi1>, vector<16xf32>
        %add3A_359 = arith.addf %add3A_281, %select_n3A_358 : vector<16xf32>
        %scan3A_360 = arith.constant 3 : i32
        %scan3A_361 = arith.addi %scan3A_129, %scan3A_360 : i32
        %mul3A_362 = arith.constant 16 : i32
        %mul3A_363 = arith.muli %scan3A_361, %mul3A_362 : i32
        %get3A_364 = arith.constant 0 : i32
        %get3A_365 = arith.index_cast %get3A_364 : i32 to index
        %get3A_366 = arith.index_cast %mul3A_363 : i32 to index
        %get3A_367 = tpu.vector_load %arg11[%get3A_365, %get3A_366] {strides = array<i32>} : memref<1x2048xi32, #tpu.memory_space<vmem>>, vector<16xi32>,
        %mul3A_368 = arith.constant 16 : i32
        %mul3A_369 = arith.muli %scan3A_361, %mul3A_368 : i32
        %get3A_370 = arith.constant 0 : i32
        %get3A_371 = arith.index_cast %get3A_370 : i32 to index
        %get3A_372 = arith.index_cast %mul3A_369 : i32 to index
        %get3A_373 = tpu.vector_load %arg13[%get3A_371, %get3A_372] {strides = array<i32>} : memref<1x2048xi32, #tpu.memory_space<vmem>>, vector<16xi32>,
        %mul3A_374 = arith.constant 16 : i32
        %mul3A_375 = arith.muli %scan3A_361, %mul3A_374 : i32
        %get3A_376 = arith.constant 0 : i32
        %get3A_377 = arith.index_cast %get3A_376 : i32 to index
        %get3A_378 = arith.index_cast %mul3A_375 : i32 to index
        %get3A_379 = tpu.vector_load %arg15[%get3A_377, %get3A_378] {strides = array<i32>} : memref<1x2048xi32, #tpu.memory_space<vmem>>, vector<16xi32>,
        %gather3A_380 = tpu.vector_load_idx %arg10[%get3A_367] : memref<100000xi32, #tpu.memory_space<vmem>>[vector<16xi32>], vector<16xi32>,
        %gather3A_381 = tpu.vector_load_idx %arg10[%get3A_373] : memref<100000xi32, #tpu.memory_space<vmem>>[vector<16xi32>], vector<16xi32>,
        %gather3A_382 = tpu.vector_load_idx %arg10[%get3A_379] : memref<100000xi32, #tpu.memory_space<vmem>>[vector<16xi32>], vector<16xi32>,
        %shift_left3A_383 = arith.constant 16 : i32
        %shift_left3A_384 = vector.broadcast %shift_left3A_383 : i32 to vector<16xi32>
        %shift_left3A_385 = arith.shli %gather3A_380, %shift_left3A_384 : vector<16xi32>
        %bitcast3A_386 = vector.bitcast %shift_left3A_385 : vector<16xi32> to vector<16xf32>
        %and3A_387 = arith.constant -65536 : i32
        %and3A_388 = vector.broadcast %and3A_387 : i32 to vector<16xi32>
        %and3A_389 = arith.andi %gather3A_380, %and3A_388 : vector<16xi32>
        %bitcast3A_390 = vector.bitcast %and3A_389 : vector<16xi32> to vector<16xf32>
        %shift_left3A_391 = arith.constant 16 : i32
        %shift_left3A_392 = vector.broadcast %shift_left3A_391 : i32 to vector<16xi32>
        %shift_left3A_393 = arith.shli %gather3A_381, %shift_left3A_392 : vector<16xi32>
        %bitcast3A_394 = vector.bitcast %shift_left3A_393 : vector<16xi32> to vector<16xf32>
        %and3A_395 = arith.constant -65536 : i32
        %and3A_396 = vector.broadcast %and3A_395 : i32 to vector<16xi32>
        %and3A_397 = arith.andi %gather3A_381, %and3A_396 : vector<16xi32>
        %bitcast3A_398 = vector.bitcast %and3A_397 : vector<16xi32> to vector<16xf32>
        %shift_left3A_399 = arith.constant 16 : i32
        %shift_left3A_400 = vector.broadcast %shift_left3A_399 : i32 to vector<16xi32>
        %shift_left3A_401 = arith.shli %gather3A_382, %shift_left3A_400 : vector<16xi32>
        %bitcast3A_402 = vector.bitcast %shift_left3A_401 : vector<16xi32> to vector<16xf32>
        %and3A_403 = arith.constant -65536 : i32
        %and3A_404 = vector.broadcast %and3A_403 : i32 to vector<16xi32>
        %and3A_405 = arith.andi %gather3A_382, %and3A_404 : vector<16xi32>
        %bitcast3A_406 = vector.bitcast %and3A_405 : vector<16xi32> to vector<16xf32>
        %sub3A_407 = arith.subf %bitcast3A_386, %bitcast3A_394 : vector<16xf32>
        %sub3A_408 = arith.subf %bitcast3A_390, %bitcast3A_398 : vector<16xf32>
        %sub3A_409 = arith.subf %bitcast3A_386, %bitcast3A_402 : vector<16xf32>
        %sub3A_410 = arith.subf %bitcast3A_390, %bitcast3A_406 : vector<16xf32>
        %mul3A_411 = arith.mulf %sub3A_407, %sub3A_407 : vector<16xf32>
        %mul3A_412 = arith.mulf %sub3A_408, %sub3A_408 : vector<16xf32>
        %add3A_413 = arith.addf %mul3A_411, %mul3A_412 : vector<16xf32>
        %add3A_414 = arith.constant 1.000000e+00 : f32
        %add3A_415 = vector.broadcast %add3A_414 : f32 to vector<16xf32>
        %add3A_416 = arith.addf %add3A_415, %add3A_413 : vector<16xf32>
        %mul3A_417 = arith.mulf %sub3A_409, %sub3A_409 : vector<16xf32>
        %mul3A_418 = arith.mulf %sub3A_410, %sub3A_410 : vector<16xf32>
        %add3A_419 = arith.addf %mul3A_417, %mul3A_418 : vector<16xf32>
        %add3A_420 = arith.constant 1.000000e+00 : f32
        %add3A_421 = vector.broadcast %add3A_420 : f32 to vector<16xf32>
        %add3A_422 = arith.addf %add3A_421, %add3A_419 : vector<16xf32>
        %mul3A_423 = arith.constant 16 : i32
        %mul3A_424 = arith.muli %scan3A_361, %mul3A_423 : i32
        %get3A_425 = arith.index_cast %mul3A_424 : i32 to index
        %get3A_426 = tpu.vector_load %arg17[%get3A_425] {strides = array<i32>} : memref<2048xf32, #tpu.memory_space<vmem>>, vector<16xf32>,
        %mul3A_427 = arith.mulf %get3A_426, %add3A_416 : vector<16xf32>
        %add3A_428 = arith.addf %add3A_416, %add3A_422 : vector<16xf32>
        %div3A_429 = arith.divf %mul3A_427, %add3A_428 : vector<16xf32>
        %add3A_430 = arith.addf %add3A_352, %div3A_429 : vector<16xf32>
        %gt3A_431 = arith.cmpf ogt, %add3A_416, %add3A_422 : vector<16xf32>
        %jit3A_432 = arith.constant 1.000000e+00 : f32
        %jit3A_433 = arith.constant 0.000000e+00 : f32
        %broadcast_in_dim3A_434 = vector.broadcast %jit3A_432 : f32 to vector<16xf32>
        %broadcast_in_dim3A_435 = vector.broadcast %jit3A_433 : f32 to vector<16xf32>
        %select_n3A_436 = arith.select %gt3A_431, %broadcast_in_dim3A_434, %broadcast_in_dim3A_435 : vector<16xi1>, vector<16xf32>
        %add3A_437 = arith.addf %add3A_359, %select_n3A_436 : vector<16xf32>
        scf.yield %add3A_430, %add3A_437 : vector<16xf32>, vector<16xf32>
      }
      %scan3A_97 = arith.constant 128 : i32
      %add3A_98 = arith.constant 1 : i32
      %add3A_99 = arith.addi %mul3A_71, %add3A_98 : i32
      %mul3A_100 = arith.constant 2048 : i32
      %mul3A_101 = arith.muli %add3A_99, %mul3A_100 : i32
      %add3A_102 = arith.addi %mul3A_2, %mul3A_101 : i32
      %dma_wait3A_103 = arith.constant 0 : i32
      %dma_wait3A_104 = tpu.memref_slice %arg3[%dma_wait3A_103, %add3A_102] : memref<3x1000000xi32, #tpu.memory_space<hbm>> -> memref<1x2048xi32, #tpu.memory_space<hbm>>
      %dma_wait3A_105 = arith.constant 0 : i32
      %dma_wait3A_106 = tpu.memref_slice %arg3[%dma_wait3A_105, %add3A_102] : memref<3x1000000xi32, #tpu.memory_space<hbm>> -> memref<1x2048xi32, #tpu.memory_space<hbm>>
      tpu.wait_dma2 semaphore(%arg25 : memref<!tpu.dma_semaphore, #tpu.memory_space<semaphore_mem>>) src(%dma_wait3A_106 : memref<1x2048xi32, #tpu.memory_space<hbm>>) dst(%arg12 : memref<1x2048xi32, #tpu.memory_space<vmem>>)
      %dma_wait3A_107 = arith.constant 1 : i32
      %dma_wait3A_108 = tpu.memref_slice %arg3[%dma_wait3A_107, %add3A_102] : memref<3x1000000xi32, #tpu.memory_space<hbm>> -> memref<1x2048xi32, #tpu.memory_space<hbm>>
      %dma_wait3A_109 = arith.constant 1 : i32
      %dma_wait3A_110 = tpu.memref_slice %arg3[%dma_wait3A_109, %add3A_102] : memref<3x1000000xi32, #tpu.memory_space<hbm>> -> memref<1x2048xi32, #tpu.memory_space<hbm>>
      tpu.wait_dma2 semaphore(%arg25 : memref<!tpu.dma_semaphore, #tpu.memory_space<semaphore_mem>>) src(%dma_wait3A_110 : memref<1x2048xi32, #tpu.memory_space<hbm>>) dst(%arg14 : memref<1x2048xi32, #tpu.memory_space<vmem>>)
      %dma_wait3A_111 = arith.constant 2 : i32
      %dma_wait3A_112 = tpu.memref_slice %arg3[%dma_wait3A_111, %add3A_102] : memref<3x1000000xi32, #tpu.memory_space<hbm>> -> memref<1x2048xi32, #tpu.memory_space<hbm>>
      %dma_wait3A_113 = arith.constant 2 : i32
      %dma_wait3A_114 = tpu.memref_slice %arg3[%dma_wait3A_113, %add3A_102] : memref<3x1000000xi32, #tpu.memory_space<hbm>> -> memref<1x2048xi32, #tpu.memory_space<hbm>>
      tpu.wait_dma2 semaphore(%arg25 : memref<!tpu.dma_semaphore, #tpu.memory_space<semaphore_mem>>) src(%dma_wait3A_114 : memref<1x2048xi32, #tpu.memory_space<hbm>>) dst(%arg16 : memref<1x2048xi32, #tpu.memory_space<vmem>>)
      %dma_wait3A_115 = tpu.memref_slice %arg4[%add3A_102] : memref<1000000xf32, #tpu.memory_space<hbm>> -> memref<2048xf32, #tpu.memory_space<hbm>>
      %dma_wait3A_116 = tpu.memref_slice %arg4[%add3A_102] : memref<1000000xf32, #tpu.memory_space<hbm>> -> memref<2048xf32, #tpu.memory_space<hbm>>
      tpu.wait_dma2 semaphore(%arg25 : memref<!tpu.dma_semaphore, #tpu.memory_space<semaphore_mem>>) src(%dma_wait3A_116 : memref<2048xf32, #tpu.memory_space<hbm>>) dst(%arg18 : memref<2048xf32, #tpu.memory_space<vmem>>)
      %add3A_117 = arith.constant 3 : i32
      %add3A_118 = arith.addi %mul3A_71, %add3A_117 : i32
      %lt3A_119 = arith.cmpi slt, %add3A_118, %min3A : i32
      %convert_element_type3A_120 = arith.extui %lt3A_119 : i1 to i32
      %cond3A_121 = arith.constant 0 : i32
      %cond3A_122 = arith.cmpi ne, %convert_element_type3A_120, %cond3A_121 : i32
      scf.if %cond3A_122 {
        %add3A_129 = arith.constant 3 : i32
        %add3A_130 = arith.addi %mul3A_71, %add3A_129 : i32
        %mul3A_131 = arith.constant 2048 : i32
        %mul3A_132 = arith.muli %add3A_130, %mul3A_131 : i32
        %add3A_133 = arith.addi %mul3A_2, %mul3A_132 : i32
        %dma_start3A = arith.constant 0 : i32
        %dma_start3A_134 = tpu.memref_slice %arg3[%dma_start3A, %add3A_133] : memref<3x1000000xi32, #tpu.memory_space<hbm>> -> memref<1x2048xi32, #tpu.memory_space<hbm>>
        %dma_start3A_135 = arith.constant 0 : i32
        %dma_start3A_136 = tpu.memref_slice %arg3[%dma_start3A_135, %add3A_133] : memref<3x1000000xi32, #tpu.memory_space<hbm>> -> memref<1x2048xi32, #tpu.memory_space<hbm>>
        tpu.enqueue_dma source(%dma_start3A_136 : memref<1x2048xi32, #tpu.memory_space<hbm>>) target(%arg12 : memref<1x2048xi32, #tpu.memory_space<vmem>>) target_semaphore(%arg25 : memref<!tpu.dma_semaphore, #tpu.memory_space<semaphore_mem>>)
        %dma_start3A_137 = arith.constant 1 : i32
        %dma_start3A_138 = tpu.memref_slice %arg3[%dma_start3A_137, %add3A_133] : memref<3x1000000xi32, #tpu.memory_space<hbm>> -> memref<1x2048xi32, #tpu.memory_space<hbm>>
        %dma_start3A_139 = arith.constant 1 : i32
        %dma_start3A_140 = tpu.memref_slice %arg3[%dma_start3A_139, %add3A_133] : memref<3x1000000xi32, #tpu.memory_space<hbm>> -> memref<1x2048xi32, #tpu.memory_space<hbm>>
        tpu.enqueue_dma source(%dma_start3A_140 : memref<1x2048xi32, #tpu.memory_space<hbm>>) target(%arg14 : memref<1x2048xi32, #tpu.memory_space<vmem>>) target_semaphore(%arg25 : memref<!tpu.dma_semaphore, #tpu.memory_space<semaphore_mem>>)
        %dma_start3A_141 = arith.constant 2 : i32
        %dma_start3A_142 = tpu.memref_slice %arg3[%dma_start3A_141, %add3A_133] : memref<3x1000000xi32, #tpu.memory_space<hbm>> -> memref<1x2048xi32, #tpu.memory_space<hbm>>
        %dma_start3A_143 = arith.constant 2 : i32
        %dma_start3A_144 = tpu.memref_slice %arg3[%dma_start3A_143, %add3A_133] : memref<3x1000000xi32, #tpu.memory_space<hbm>> -> memref<1x2048xi32, #tpu.memory_space<hbm>>
        tpu.enqueue_dma source(%dma_start3A_144 : memref<1x2048xi32, #tpu.memory_space<hbm>>) target(%arg16 : memref<1x2048xi32, #tpu.memory_space<vmem>>) target_semaphore(%arg25 : memref<!tpu.dma_semaphore, #tpu.memory_space<semaphore_mem>>)
        %dma_start3A_145 = tpu.memref_slice %arg4[%add3A_133] : memref<1000000xf32, #tpu.memory_space<hbm>> -> memref<2048xf32, #tpu.memory_space<hbm>>
        %dma_start3A_146 = tpu.memref_slice %arg4[%add3A_133] : memref<1000000xf32, #tpu.memory_space<hbm>> -> memref<2048xf32, #tpu.memory_space<hbm>>
        tpu.enqueue_dma source(%dma_start3A_146 : memref<2048xf32, #tpu.memory_space<hbm>>) target(%arg18 : memref<2048xf32, #tpu.memory_space<vmem>>) target_semaphore(%arg25 : memref<!tpu.dma_semaphore, #tpu.memory_space<semaphore_mem>>)
      } else {
      }
      %scan3A_123 = arith.constant 0 : i32
      %scan3A_124 = arith.constant 128 : i32
      %scan3A_125 = arith.addi %scan3A_123, %scan3A_124 : i32
      %scan3A_126 = arith.constant 4 : i32
      %scan3A_127:2 = scf.for %scan3A_129 = %scan3A_123 to %scan3A_125 step %scan3A_126 iter_args(%scan3A_130 = %scan3A_96#0, %scan3A_131 = %scan3A_96#1) -> (vector<16xf32>, vector<16xf32>)  : i32 {
        %mul3A_132 = arith.constant 16 : i32
        %mul3A_133 = arith.muli %scan3A_129, %mul3A_132 : i32
        %get3A = arith.constant 0 : i32
        %get3A_134 = arith.index_cast %get3A : i32 to index
        %get3A_135 = arith.index_cast %mul3A_133 : i32 to index
        %get3A_136 = tpu.vector_load %arg12[%get3A_134, %get3A_135] {strides = array<i32>} : memref<1x2048xi32, #tpu.memory_space<vmem>>, vector<16xi32>,
        %mul3A_137 = arith.constant 16 : i32
        %mul3A_138 = arith.muli %scan3A_129, %mul3A_137 : i32
        %get3A_139 = arith.constant 0 : i32
        %get3A_140 = arith.index_cast %get3A_139 : i32 to index
        %get3A_141 = arith.index_cast %mul3A_138 : i32 to index
        %get3A_142 = tpu.vector_load %arg14[%get3A_140, %get3A_141] {strides = array<i32>} : memref<1x2048xi32, #tpu.memory_space<vmem>>, vector<16xi32>,
        %mul3A_143 = arith.constant 16 : i32
        %mul3A_144 = arith.muli %scan3A_129, %mul3A_143 : i32
        %get3A_145 = arith.constant 0 : i32
        %get3A_146 = arith.index_cast %get3A_145 : i32 to index
        %get3A_147 = arith.index_cast %mul3A_144 : i32 to index
        %get3A_148 = tpu.vector_load %arg16[%get3A_146, %get3A_147] {strides = array<i32>} : memref<1x2048xi32, #tpu.memory_space<vmem>>, vector<16xi32>,
        %gather3A = tpu.vector_load_idx %arg10[%get3A_136] : memref<100000xi32, #tpu.memory_space<vmem>>[vector<16xi32>], vector<16xi32>,
        %gather3A_149 = tpu.vector_load_idx %arg10[%get3A_142] : memref<100000xi32, #tpu.memory_space<vmem>>[vector<16xi32>], vector<16xi32>,
        %gather3A_150 = tpu.vector_load_idx %arg10[%get3A_148] : memref<100000xi32, #tpu.memory_space<vmem>>[vector<16xi32>], vector<16xi32>,
        %shift_left3A = arith.constant 16 : i32
        %shift_left3A_151 = vector.broadcast %shift_left3A : i32 to vector<16xi32>
        %shift_left3A_152 = arith.shli %gather3A, %shift_left3A_151 : vector<16xi32>
        %bitcast3A = vector.bitcast %shift_left3A_152 : vector<16xi32> to vector<16xf32>
        %and3A_153 = arith.constant -65536 : i32
        %and3A_154 = vector.broadcast %and3A_153 : i32 to vector<16xi32>
        %and3A_155 = arith.andi %gather3A, %and3A_154 : vector<16xi32>
        %bitcast3A_156 = vector.bitcast %and3A_155 : vector<16xi32> to vector<16xf32>
        %shift_left3A_157 = arith.constant 16 : i32
        %shift_left3A_158 = vector.broadcast %shift_left3A_157 : i32 to vector<16xi32>
        %shift_left3A_159 = arith.shli %gather3A_149, %shift_left3A_158 : vector<16xi32>
        %bitcast3A_160 = vector.bitcast %shift_left3A_159 : vector<16xi32> to vector<16xf32>
        %and3A_161 = arith.constant -65536 : i32
        %and3A_162 = vector.broadcast %and3A_161 : i32 to vector<16xi32>
        %and3A_163 = arith.andi %gather3A_149, %and3A_162 : vector<16xi32>
        %bitcast3A_164 = vector.bitcast %and3A_163 : vector<16xi32> to vector<16xf32>
        %shift_left3A_165 = arith.constant 16 : i32
        %shift_left3A_166 = vector.broadcast %shift_left3A_165 : i32 to vector<16xi32>
        %shift_left3A_167 = arith.shli %gather3A_150, %shift_left3A_166 : vector<16xi32>
        %bitcast3A_168 = vector.bitcast %shift_left3A_167 : vector<16xi32> to vector<16xf32>
        %and3A_169 = arith.constant -65536 : i32
        %and3A_170 = vector.broadcast %and3A_169 : i32 to vector<16xi32>
        %and3A_171 = arith.andi %gather3A_150, %and3A_170 : vector<16xi32>
        %bitcast3A_172 = vector.bitcast %and3A_171 : vector<16xi32> to vector<16xf32>
        %sub3A_173 = arith.subf %bitcast3A, %bitcast3A_160 : vector<16xf32>
        %sub3A_174 = arith.subf %bitcast3A_156, %bitcast3A_164 : vector<16xf32>
        %sub3A_175 = arith.subf %bitcast3A, %bitcast3A_168 : vector<16xf32>
        %sub3A_176 = arith.subf %bitcast3A_156, %bitcast3A_172 : vector<16xf32>
        %mul3A_177 = arith.mulf %sub3A_173, %sub3A_173 : vector<16xf32>
        %mul3A_178 = arith.mulf %sub3A_174, %sub3A_174 : vector<16xf32>
        %add3A_179 = arith.addf %mul3A_177, %mul3A_178 : vector<16xf32>
        %add3A_180 = arith.constant 1.000000e+00 : f32
        %add3A_181 = vector.broadcast %add3A_180 : f32 to vector<16xf32>
        %add3A_182 = arith.addf %add3A_181, %add3A_179 : vector<16xf32>
        %mul3A_183 = arith.mulf %sub3A_175, %sub3A_175 : vector<16xf32>
        %mul3A_184 = arith.mulf %sub3A_176, %sub3A_176 : vector<16xf32>
        %add3A_185 = arith.addf %mul3A_183, %mul3A_184 : vector<16xf32>
        %add3A_186 = arith.constant 1.000000e+00 : f32
        %add3A_187 = vector.broadcast %add3A_186 : f32 to vector<16xf32>
        %add3A_188 = arith.addf %add3A_187, %add3A_185 : vector<16xf32>
        %mul3A_189 = arith.constant 16 : i32
        %mul3A_190 = arith.muli %scan3A_129, %mul3A_189 : i32
        %get3A_191 = arith.index_cast %mul3A_190 : i32 to index
        %get3A_192 = tpu.vector_load %arg18[%get3A_191] {strides = array<i32>} : memref<2048xf32, #tpu.memory_space<vmem>>, vector<16xf32>,
        %mul3A_193 = arith.mulf %get3A_192, %add3A_182 : vector<16xf32>
        %add3A_194 = arith.addf %add3A_182, %add3A_188 : vector<16xf32>
        %div3A_195 = arith.divf %mul3A_193, %add3A_194 : vector<16xf32>
        %add3A_196 = arith.addf %scan3A_130, %div3A_195 : vector<16xf32>
        %gt3A_197 = arith.cmpf ogt, %add3A_182, %add3A_188 : vector<16xf32>
        %jit3A_198 = arith.constant 1.000000e+00 : f32
        %jit3A_199 = arith.constant 0.000000e+00 : f32
        %broadcast_in_dim3A_200 = vector.broadcast %jit3A_198 : f32 to vector<16xf32>
        %broadcast_in_dim3A_201 = vector.broadcast %jit3A_199 : f32 to vector<16xf32>
        %select_n3A_202 = arith.select %gt3A_197, %broadcast_in_dim3A_200, %broadcast_in_dim3A_201 : vector<16xi1>, vector<16xf32>
        %add3A_203 = arith.addf %scan3A_131, %select_n3A_202 : vector<16xf32>
        %scan3A_204 = arith.constant 1 : i32
        %scan3A_205 = arith.addi %scan3A_129, %scan3A_204 : i32
        %mul3A_206 = arith.constant 16 : i32
        %mul3A_207 = arith.muli %scan3A_205, %mul3A_206 : i32
        %get3A_208 = arith.constant 0 : i32
        %get3A_209 = arith.index_cast %get3A_208 : i32 to index
        %get3A_210 = arith.index_cast %mul3A_207 : i32 to index
        %get3A_211 = tpu.vector_load %arg12[%get3A_209, %get3A_210] {strides = array<i32>} : memref<1x2048xi32, #tpu.memory_space<vmem>>, vector<16xi32>,
        %mul3A_212 = arith.constant 16 : i32
        %mul3A_213 = arith.muli %scan3A_205, %mul3A_212 : i32
        %get3A_214 = arith.constant 0 : i32
        %get3A_215 = arith.index_cast %get3A_214 : i32 to index
        %get3A_216 = arith.index_cast %mul3A_213 : i32 to index
        %get3A_217 = tpu.vector_load %arg14[%get3A_215, %get3A_216] {strides = array<i32>} : memref<1x2048xi32, #tpu.memory_space<vmem>>, vector<16xi32>,
        %mul3A_218 = arith.constant 16 : i32
        %mul3A_219 = arith.muli %scan3A_205, %mul3A_218 : i32
        %get3A_220 = arith.constant 0 : i32
        %get3A_221 = arith.index_cast %get3A_220 : i32 to index
        %get3A_222 = arith.index_cast %mul3A_219 : i32 to index
        %get3A_223 = tpu.vector_load %arg16[%get3A_221, %get3A_222] {strides = array<i32>} : memref<1x2048xi32, #tpu.memory_space<vmem>>, vector<16xi32>,
        %gather3A_224 = tpu.vector_load_idx %arg10[%get3A_211] : memref<100000xi32, #tpu.memory_space<vmem>>[vector<16xi32>], vector<16xi32>,
        %gather3A_225 = tpu.vector_load_idx %arg10[%get3A_217] : memref<100000xi32, #tpu.memory_space<vmem>>[vector<16xi32>], vector<16xi32>,
        %gather3A_226 = tpu.vector_load_idx %arg10[%get3A_223] : memref<100000xi32, #tpu.memory_space<vmem>>[vector<16xi32>], vector<16xi32>,
        %shift_left3A_227 = arith.constant 16 : i32
        %shift_left3A_228 = vector.broadcast %shift_left3A_227 : i32 to vector<16xi32>
        %shift_left3A_229 = arith.shli %gather3A_224, %shift_left3A_228 : vector<16xi32>
        %bitcast3A_230 = vector.bitcast %shift_left3A_229 : vector<16xi32> to vector<16xf32>
        %and3A_231 = arith.constant -65536 : i32
        %and3A_232 = vector.broadcast %and3A_231 : i32 to vector<16xi32>
        %and3A_233 = arith.andi %gather3A_224, %and3A_232 : vector<16xi32>
        %bitcast3A_234 = vector.bitcast %and3A_233 : vector<16xi32> to vector<16xf32>
        %shift_left3A_235 = arith.constant 16 : i32
        %shift_left3A_236 = vector.broadcast %shift_left3A_235 : i32 to vector<16xi32>
        %shift_left3A_237 = arith.shli %gather3A_225, %shift_left3A_236 : vector<16xi32>
        %bitcast3A_238 = vector.bitcast %shift_left3A_237 : vector<16xi32> to vector<16xf32>
        %and3A_239 = arith.constant -65536 : i32
        %and3A_240 = vector.broadcast %and3A_239 : i32 to vector<16xi32>
        %and3A_241 = arith.andi %gather3A_225, %and3A_240 : vector<16xi32>
        %bitcast3A_242 = vector.bitcast %and3A_241 : vector<16xi32> to vector<16xf32>
        %shift_left3A_243 = arith.constant 16 : i32
        %shift_left3A_244 = vector.broadcast %shift_left3A_243 : i32 to vector<16xi32>
        %shift_left3A_245 = arith.shli %gather3A_226, %shift_left3A_244 : vector<16xi32>
        %bitcast3A_246 = vector.bitcast %shift_left3A_245 : vector<16xi32> to vector<16xf32>
        %and3A_247 = arith.constant -65536 : i32
        %and3A_248 = vector.broadcast %and3A_247 : i32 to vector<16xi32>
        %and3A_249 = arith.andi %gather3A_226, %and3A_248 : vector<16xi32>
        %bitcast3A_250 = vector.bitcast %and3A_249 : vector<16xi32> to vector<16xf32>
        %sub3A_251 = arith.subf %bitcast3A_230, %bitcast3A_238 : vector<16xf32>
        %sub3A_252 = arith.subf %bitcast3A_234, %bitcast3A_242 : vector<16xf32>
        %sub3A_253 = arith.subf %bitcast3A_230, %bitcast3A_246 : vector<16xf32>
        %sub3A_254 = arith.subf %bitcast3A_234, %bitcast3A_250 : vector<16xf32>
        %mul3A_255 = arith.mulf %sub3A_251, %sub3A_251 : vector<16xf32>
        %mul3A_256 = arith.mulf %sub3A_252, %sub3A_252 : vector<16xf32>
        %add3A_257 = arith.addf %mul3A_255, %mul3A_256 : vector<16xf32>
        %add3A_258 = arith.constant 1.000000e+00 : f32
        %add3A_259 = vector.broadcast %add3A_258 : f32 to vector<16xf32>
        %add3A_260 = arith.addf %add3A_259, %add3A_257 : vector<16xf32>
        %mul3A_261 = arith.mulf %sub3A_253, %sub3A_253 : vector<16xf32>
        %mul3A_262 = arith.mulf %sub3A_254, %sub3A_254 : vector<16xf32>
        %add3A_263 = arith.addf %mul3A_261, %mul3A_262 : vector<16xf32>
        %add3A_264 = arith.constant 1.000000e+00 : f32
        %add3A_265 = vector.broadcast %add3A_264 : f32 to vector<16xf32>
        %add3A_266 = arith.addf %add3A_265, %add3A_263 : vector<16xf32>
        %mul3A_267 = arith.constant 16 : i32
        %mul3A_268 = arith.muli %scan3A_205, %mul3A_267 : i32
        %get3A_269 = arith.index_cast %mul3A_268 : i32 to index
        %get3A_270 = tpu.vector_load %arg18[%get3A_269] {strides = array<i32>} : memref<2048xf32, #tpu.memory_space<vmem>>, vector<16xf32>,
        %mul3A_271 = arith.mulf %get3A_270, %add3A_260 : vector<16xf32>
        %add3A_272 = arith.addf %add3A_260, %add3A_266 : vector<16xf32>
        %div3A_273 = arith.divf %mul3A_271, %add3A_272 : vector<16xf32>
        %add3A_274 = arith.addf %add3A_196, %div3A_273 : vector<16xf32>
        %gt3A_275 = arith.cmpf ogt, %add3A_260, %add3A_266 : vector<16xf32>
        %jit3A_276 = arith.constant 1.000000e+00 : f32
        %jit3A_277 = arith.constant 0.000000e+00 : f32
        %broadcast_in_dim3A_278 = vector.broadcast %jit3A_276 : f32 to vector<16xf32>
        %broadcast_in_dim3A_279 = vector.broadcast %jit3A_277 : f32 to vector<16xf32>
        %select_n3A_280 = arith.select %gt3A_275, %broadcast_in_dim3A_278, %broadcast_in_dim3A_279 : vector<16xi1>, vector<16xf32>
        %add3A_281 = arith.addf %add3A_203, %select_n3A_280 : vector<16xf32>
        %scan3A_282 = arith.constant 2 : i32
        %scan3A_283 = arith.addi %scan3A_129, %scan3A_282 : i32
        %mul3A_284 = arith.constant 16 : i32
        %mul3A_285 = arith.muli %scan3A_283, %mul3A_284 : i32
        %get3A_286 = arith.constant 0 : i32
        %get3A_287 = arith.index_cast %get3A_286 : i32 to index
        %get3A_288 = arith.index_cast %mul3A_285 : i32 to index
        %get3A_289 = tpu.vector_load %arg12[%get3A_287, %get3A_288] {strides = array<i32>} : memref<1x2048xi32, #tpu.memory_space<vmem>>, vector<16xi32>,
        %mul3A_290 = arith.constant 16 : i32
        %mul3A_291 = arith.muli %scan3A_283, %mul3A_290 : i32
        %get3A_292 = arith.constant 0 : i32
        %get3A_293 = arith.index_cast %get3A_292 : i32 to index
        %get3A_294 = arith.index_cast %mul3A_291 : i32 to index
        %get3A_295 = tpu.vector_load %arg14[%get3A_293, %get3A_294] {strides = array<i32>} : memref<1x2048xi32, #tpu.memory_space<vmem>>, vector<16xi32>,
        %mul3A_296 = arith.constant 16 : i32
        %mul3A_297 = arith.muli %scan3A_283, %mul3A_296 : i32
        %get3A_298 = arith.constant 0 : i32
        %get3A_299 = arith.index_cast %get3A_298 : i32 to index
        %get3A_300 = arith.index_cast %mul3A_297 : i32 to index
        %get3A_301 = tpu.vector_load %arg16[%get3A_299, %get3A_300] {strides = array<i32>} : memref<1x2048xi32, #tpu.memory_space<vmem>>, vector<16xi32>,
        %gather3A_302 = tpu.vector_load_idx %arg10[%get3A_289] : memref<100000xi32, #tpu.memory_space<vmem>>[vector<16xi32>], vector<16xi32>,
        %gather3A_303 = tpu.vector_load_idx %arg10[%get3A_295] : memref<100000xi32, #tpu.memory_space<vmem>>[vector<16xi32>], vector<16xi32>,
        %gather3A_304 = tpu.vector_load_idx %arg10[%get3A_301] : memref<100000xi32, #tpu.memory_space<vmem>>[vector<16xi32>], vector<16xi32>,
        %shift_left3A_305 = arith.constant 16 : i32
        %shift_left3A_306 = vector.broadcast %shift_left3A_305 : i32 to vector<16xi32>
        %shift_left3A_307 = arith.shli %gather3A_302, %shift_left3A_306 : vector<16xi32>
        %bitcast3A_308 = vector.bitcast %shift_left3A_307 : vector<16xi32> to vector<16xf32>
        %and3A_309 = arith.constant -65536 : i32
        %and3A_310 = vector.broadcast %and3A_309 : i32 to vector<16xi32>
        %and3A_311 = arith.andi %gather3A_302, %and3A_310 : vector<16xi32>
        %bitcast3A_312 = vector.bitcast %and3A_311 : vector<16xi32> to vector<16xf32>
        %shift_left3A_313 = arith.constant 16 : i32
        %shift_left3A_314 = vector.broadcast %shift_left3A_313 : i32 to vector<16xi32>
        %shift_left3A_315 = arith.shli %gather3A_303, %shift_left3A_314 : vector<16xi32>
        %bitcast3A_316 = vector.bitcast %shift_left3A_315 : vector<16xi32> to vector<16xf32>
        %and3A_317 = arith.constant -65536 : i32
        %and3A_318 = vector.broadcast %and3A_317 : i32 to vector<16xi32>
        %and3A_319 = arith.andi %gather3A_303, %and3A_318 : vector<16xi32>
        %bitcast3A_320 = vector.bitcast %and3A_319 : vector<16xi32> to vector<16xf32>
        %shift_left3A_321 = arith.constant 16 : i32
        %shift_left3A_322 = vector.broadcast %shift_left3A_321 : i32 to vector<16xi32>
        %shift_left3A_323 = arith.shli %gather3A_304, %shift_left3A_322 : vector<16xi32>
        %bitcast3A_324 = vector.bitcast %shift_left3A_323 : vector<16xi32> to vector<16xf32>
        %and3A_325 = arith.constant -65536 : i32
        %and3A_326 = vector.broadcast %and3A_325 : i32 to vector<16xi32>
        %and3A_327 = arith.andi %gather3A_304, %and3A_326 : vector<16xi32>
        %bitcast3A_328 = vector.bitcast %and3A_327 : vector<16xi32> to vector<16xf32>
        %sub3A_329 = arith.subf %bitcast3A_308, %bitcast3A_316 : vector<16xf32>
        %sub3A_330 = arith.subf %bitcast3A_312, %bitcast3A_320 : vector<16xf32>
        %sub3A_331 = arith.subf %bitcast3A_308, %bitcast3A_324 : vector<16xf32>
        %sub3A_332 = arith.subf %bitcast3A_312, %bitcast3A_328 : vector<16xf32>
        %mul3A_333 = arith.mulf %sub3A_329, %sub3A_329 : vector<16xf32>
        %mul3A_334 = arith.mulf %sub3A_330, %sub3A_330 : vector<16xf32>
        %add3A_335 = arith.addf %mul3A_333, %mul3A_334 : vector<16xf32>
        %add3A_336 = arith.constant 1.000000e+00 : f32
        %add3A_337 = vector.broadcast %add3A_336 : f32 to vector<16xf32>
        %add3A_338 = arith.addf %add3A_337, %add3A_335 : vector<16xf32>
        %mul3A_339 = arith.mulf %sub3A_331, %sub3A_331 : vector<16xf32>
        %mul3A_340 = arith.mulf %sub3A_332, %sub3A_332 : vector<16xf32>
        %add3A_341 = arith.addf %mul3A_339, %mul3A_340 : vector<16xf32>
        %add3A_342 = arith.constant 1.000000e+00 : f32
        %add3A_343 = vector.broadcast %add3A_342 : f32 to vector<16xf32>
        %add3A_344 = arith.addf %add3A_343, %add3A_341 : vector<16xf32>
        %mul3A_345 = arith.constant 16 : i32
        %mul3A_346 = arith.muli %scan3A_283, %mul3A_345 : i32
        %get3A_347 = arith.index_cast %mul3A_346 : i32 to index
        %get3A_348 = tpu.vector_load %arg18[%get3A_347] {strides = array<i32>} : memref<2048xf32, #tpu.memory_space<vmem>>, vector<16xf32>,
        %mul3A_349 = arith.mulf %get3A_348, %add3A_338 : vector<16xf32>
        %add3A_350 = arith.addf %add3A_338, %add3A_344 : vector<16xf32>
        %div3A_351 = arith.divf %mul3A_349, %add3A_350 : vector<16xf32>
        %add3A_352 = arith.addf %add3A_274, %div3A_351 : vector<16xf32>
        %gt3A_353 = arith.cmpf ogt, %add3A_338, %add3A_344 : vector<16xf32>
        %jit3A_354 = arith.constant 1.000000e+00 : f32
        %jit3A_355 = arith.constant 0.000000e+00 : f32
        %broadcast_in_dim3A_356 = vector.broadcast %jit3A_354 : f32 to vector<16xf32>
        %broadcast_in_dim3A_357 = vector.broadcast %jit3A_355 : f32 to vector<16xf32>
        %select_n3A_358 = arith.select %gt3A_353, %broadcast_in_dim3A_356, %broadcast_in_dim3A_357 : vector<16xi1>, vector<16xf32>
        %add3A_359 = arith.addf %add3A_281, %select_n3A_358 : vector<16xf32>
        %scan3A_360 = arith.constant 3 : i32
        %scan3A_361 = arith.addi %scan3A_129, %scan3A_360 : i32
        %mul3A_362 = arith.constant 16 : i32
        %mul3A_363 = arith.muli %scan3A_361, %mul3A_362 : i32
        %get3A_364 = arith.constant 0 : i32
        %get3A_365 = arith.index_cast %get3A_364 : i32 to index
        %get3A_366 = arith.index_cast %mul3A_363 : i32 to index
        %get3A_367 = tpu.vector_load %arg12[%get3A_365, %get3A_366] {strides = array<i32>} : memref<1x2048xi32, #tpu.memory_space<vmem>>, vector<16xi32>,
        %mul3A_368 = arith.constant 16 : i32
        %mul3A_369 = arith.muli %scan3A_361, %mul3A_368 : i32
        %get3A_370 = arith.constant 0 : i32
        %get3A_371 = arith.index_cast %get3A_370 : i32 to index
        %get3A_372 = arith.index_cast %mul3A_369 : i32 to index
        %get3A_373 = tpu.vector_load %arg14[%get3A_371, %get3A_372] {strides = array<i32>} : memref<1x2048xi32, #tpu.memory_space<vmem>>, vector<16xi32>,
        %mul3A_374 = arith.constant 16 : i32
        %mul3A_375 = arith.muli %scan3A_361, %mul3A_374 : i32
        %get3A_376 = arith.constant 0 : i32
        %get3A_377 = arith.index_cast %get3A_376 : i32 to index
        %get3A_378 = arith.index_cast %mul3A_375 : i32 to index
        %get3A_379 = tpu.vector_load %arg16[%get3A_377, %get3A_378] {strides = array<i32>} : memref<1x2048xi32, #tpu.memory_space<vmem>>, vector<16xi32>,
        %gather3A_380 = tpu.vector_load_idx %arg10[%get3A_367] : memref<100000xi32, #tpu.memory_space<vmem>>[vector<16xi32>], vector<16xi32>,
        %gather3A_381 = tpu.vector_load_idx %arg10[%get3A_373] : memref<100000xi32, #tpu.memory_space<vmem>>[vector<16xi32>], vector<16xi32>,
        %gather3A_382 = tpu.vector_load_idx %arg10[%get3A_379] : memref<100000xi32, #tpu.memory_space<vmem>>[vector<16xi32>], vector<16xi32>,
        %shift_left3A_383 = arith.constant 16 : i32
        %shift_left3A_384 = vector.broadcast %shift_left3A_383 : i32 to vector<16xi32>
        %shift_left3A_385 = arith.shli %gather3A_380, %shift_left3A_384 : vector<16xi32>
        %bitcast3A_386 = vector.bitcast %shift_left3A_385 : vector<16xi32> to vector<16xf32>
        %and3A_387 = arith.constant -65536 : i32
        %and3A_388 = vector.broadcast %and3A_387 : i32 to vector<16xi32>
        %and3A_389 = arith.andi %gather3A_380, %and3A_388 : vector<16xi32>
        %bitcast3A_390 = vector.bitcast %and3A_389 : vector<16xi32> to vector<16xf32>
        %shift_left3A_391 = arith.constant 16 : i32
        %shift_left3A_392 = vector.broadcast %shift_left3A_391 : i32 to vector<16xi32>
        %shift_left3A_393 = arith.shli %gather3A_381, %shift_left3A_392 : vector<16xi32>
        %bitcast3A_394 = vector.bitcast %shift_left3A_393 : vector<16xi32> to vector<16xf32>
        %and3A_395 = arith.constant -65536 : i32
        %and3A_396 = vector.broadcast %and3A_395 : i32 to vector<16xi32>
        %and3A_397 = arith.andi %gather3A_381, %and3A_396 : vector<16xi32>
        %bitcast3A_398 = vector.bitcast %and3A_397 : vector<16xi32> to vector<16xf32>
        %shift_left3A_399 = arith.constant 16 : i32
        %shift_left3A_400 = vector.broadcast %shift_left3A_399 : i32 to vector<16xi32>
        %shift_left3A_401 = arith.shli %gather3A_382, %shift_left3A_400 : vector<16xi32>
        %bitcast3A_402 = vector.bitcast %shift_left3A_401 : vector<16xi32> to vector<16xf32>
        %and3A_403 = arith.constant -65536 : i32
        %and3A_404 = vector.broadcast %and3A_403 : i32 to vector<16xi32>
        %and3A_405 = arith.andi %gather3A_382, %and3A_404 : vector<16xi32>
        %bitcast3A_406 = vector.bitcast %and3A_405 : vector<16xi32> to vector<16xf32>
        %sub3A_407 = arith.subf %bitcast3A_386, %bitcast3A_394 : vector<16xf32>
        %sub3A_408 = arith.subf %bitcast3A_390, %bitcast3A_398 : vector<16xf32>
        %sub3A_409 = arith.subf %bitcast3A_386, %bitcast3A_402 : vector<16xf32>
        %sub3A_410 = arith.subf %bitcast3A_390, %bitcast3A_406 : vector<16xf32>
        %mul3A_411 = arith.mulf %sub3A_407, %sub3A_407 : vector<16xf32>
        %mul3A_412 = arith.mulf %sub3A_408, %sub3A_408 : vector<16xf32>
        %add3A_413 = arith.addf %mul3A_411, %mul3A_412 : vector<16xf32>
        %add3A_414 = arith.constant 1.000000e+00 : f32
        %add3A_415 = vector.broadcast %add3A_414 : f32 to vector<16xf32>
        %add3A_416 = arith.addf %add3A_415, %add3A_413 : vector<16xf32>
        %mul3A_417 = arith.mulf %sub3A_409, %sub3A_409 : vector<16xf32>
        %mul3A_418 = arith.mulf %sub3A_410, %sub3A_410 : vector<16xf32>
        %add3A_419 = arith.addf %mul3A_417, %mul3A_418 : vector<16xf32>
        %add3A_420 = arith.constant 1.000000e+00 : f32
        %add3A_421 = vector.broadcast %add3A_420 : f32 to vector<16xf32>
        %add3A_422 = arith.addf %add3A_421, %add3A_419 : vector<16xf32>
        %mul3A_423 = arith.constant 16 : i32
        %mul3A_424 = arith.muli %scan3A_361, %mul3A_423 : i32
        %get3A_425 = arith.index_cast %mul3A_424 : i32 to index
        %get3A_426 = tpu.vector_load %arg18[%get3A_425] {strides = array<i32>} : memref<2048xf32, #tpu.memory_space<vmem>>, vector<16xf32>,
        %mul3A_427 = arith.mulf %get3A_426, %add3A_416 : vector<16xf32>
        %add3A_428 = arith.addf %add3A_416, %add3A_422 : vector<16xf32>
        %div3A_429 = arith.divf %mul3A_427, %add3A_428 : vector<16xf32>
        %add3A_430 = arith.addf %add3A_352, %div3A_429 : vector<16xf32>
        %gt3A_431 = arith.cmpf ogt, %add3A_416, %add3A_422 : vector<16xf32>
        %jit3A_432 = arith.constant 1.000000e+00 : f32
        %jit3A_433 = arith.constant 0.000000e+00 : f32
        %broadcast_in_dim3A_434 = vector.broadcast %jit3A_432 : f32 to vector<16xf32>
        %broadcast_in_dim3A_435 = vector.broadcast %jit3A_433 : f32 to vector<16xf32>
        %select_n3A_436 = arith.select %gt3A_431, %broadcast_in_dim3A_434, %broadcast_in_dim3A_435 : vector<16xi1>, vector<16xf32>
        %add3A_437 = arith.addf %add3A_359, %select_n3A_436 : vector<16xf32>
        scf.yield %add3A_430, %add3A_437 : vector<16xf32>, vector<16xf32>
      }
      %scan3A_128 = arith.constant 128 : i32
      scf.yield %scan3A_127#0, %scan3A_127#1 : vector<16xf32>, vector<16xf32>
    }
    %swap3A = arith.constant 0 : index
    %swap3A_60 = tpu.vector_load %arg22[%swap3A] {strides = array<i32>} : memref<16xf32, #tpu.memory_space<vmem>>, vector<16xf32>,
    tpu.vector_store %arg22[%swap3A], %while3A_59#0 {strides = array<i32>} : memref<16xf32, #tpu.memory_space<vmem>>, vector<16xf32>,
    %swap3A_61 = arith.constant 0 : index
    %swap3A_62 = tpu.vector_load %arg23[%swap3A_61] {strides = array<i32>} : memref<16xf32, #tpu.memory_space<vmem>>, vector<16xf32>,
    tpu.vector_store %arg23[%swap3A_61], %while3A_59#1 {strides = array<i32>} : memref<16xf32, #tpu.memory_space<vmem>>, vector<16xf32>,
    %eq3A = arith.constant 30 : i32
    %eq3A_63 = arith.cmpi eq, %add3A, %eq3A : i32
    %convert_element_type3A_64 = arith.extui %eq3A_63 : i1 to i32
    %cond3A_65 = arith.constant 0 : i32
    %cond3A_66 = arith.cmpi ne, %convert_element_type3A_64, %cond3A_65 : i32
    scf.if %cond3A_66 {
      "tpu.region"() ({
        %run_scoped3A = tpu.sem_alloc : memref<!tpu.dma_semaphore, #tpu.memory_space<semaphore_mem>>
        tpu.enqueue_dma source(%arg5 : memref<1x576xi32, #tpu.memory_space<hbm>>) target(%arg19 : memref<1x576xi32, #tpu.memory_space<vmem>>) target_semaphore(%run_scoped3A : memref<!tpu.dma_semaphore, #tpu.memory_space<semaphore_mem>>)
        tpu.wait_dma2 semaphore(%run_scoped3A : memref<!tpu.dma_semaphore, #tpu.memory_space<semaphore_mem>>) src(%arg5 : memref<1x576xi32, #tpu.memory_space<hbm>>) dst(%arg19 : memref<1x576xi32, #tpu.memory_space<vmem>>)
        tpu.yield
      }) : () -> ()
      "tpu.region"() ({
        %run_scoped3A = tpu.sem_alloc : memref<!tpu.dma_semaphore, #tpu.memory_space<semaphore_mem>>
        tpu.enqueue_dma source(%arg6 : memref<1x576xi32, #tpu.memory_space<hbm>>) target(%arg20 : memref<1x576xi32, #tpu.memory_space<vmem>>) target_semaphore(%run_scoped3A : memref<!tpu.dma_semaphore, #tpu.memory_space<semaphore_mem>>)
        tpu.wait_dma2 semaphore(%run_scoped3A : memref<!tpu.dma_semaphore, #tpu.memory_space<semaphore_mem>>) src(%arg6 : memref<1x576xi32, #tpu.memory_space<hbm>>) dst(%arg20 : memref<1x576xi32, #tpu.memory_space<vmem>>)
        tpu.yield
      }) : () -> ()
      "tpu.region"() ({
        %run_scoped3A = tpu.sem_alloc : memref<!tpu.dma_semaphore, #tpu.memory_space<semaphore_mem>>
        tpu.enqueue_dma source(%arg7 : memref<1x576xi32, #tpu.memory_space<hbm>>) target(%arg21 : memref<1x576xi32, #tpu.memory_space<vmem>>) target_semaphore(%run_scoped3A : memref<!tpu.dma_semaphore, #tpu.memory_space<semaphore_mem>>)
        tpu.wait_dma2 semaphore(%run_scoped3A : memref<!tpu.dma_semaphore, #tpu.memory_space<semaphore_mem>>) src(%arg7 : memref<1x576xi32, #tpu.memory_space<hbm>>) dst(%arg21 : memref<1x576xi32, #tpu.memory_space<vmem>>)
        tpu.yield
      }) : () -> ()
      "tpu.region"() ({
        %run_scoped3A = tpu.sem_alloc : memref<!tpu.dma_semaphore, #tpu.memory_space<semaphore_mem>>
        %dma_start3A = arith.constant 0 : i32
        %dma_start3A_79 = tpu.memref_slice %arg17[%dma_start3A] : memref<2048xf32, #tpu.memory_space<vmem>> -> memref<576xf32, #tpu.memory_space<vmem>>
        %dma_start3A_80 = arith.constant 999424 : i32
        %dma_start3A_81 = tpu.memref_slice %arg4[%dma_start3A_80] : memref<1000000xf32, #tpu.memory_space<hbm>> -> memref<576xf32, #tpu.memory_space<hbm>>
        %dma_start3A_82 = arith.constant 0 : i32
        %dma_start3A_83 = tpu.memref_slice %arg17[%dma_start3A_82] : memref<2048xf32, #tpu.memory_space<vmem>> -> memref<576xf32, #tpu.memory_space<vmem>>
        %dma_start3A_84 = arith.constant 999424 : i32
        %dma_start3A_85 = tpu.memref_slice %arg4[%dma_start3A_84] : memref<1000000xf32, #tpu.memory_space<hbm>> -> memref<576xf32, #tpu.memory_space<hbm>>
        tpu.enqueue_dma source(%dma_start3A_85 : memref<576xf32, #tpu.memory_space<hbm>>) target(%dma_start3A_83 : memref<576xf32, #tpu.memory_space<vmem>>) target_semaphore(%run_scoped3A : memref<!tpu.dma_semaphore, #tpu.memory_space<semaphore_mem>>)
        %dma_wait3A = arith.constant 0 : i32
        %dma_wait3A_86 = tpu.memref_slice %arg17[%dma_wait3A] : memref<2048xf32, #tpu.memory_space<vmem>> -> memref<576xf32, #tpu.memory_space<vmem>>
        %dma_wait3A_87 = arith.constant 999424 : i32
        %dma_wait3A_88 = tpu.memref_slice %arg4[%dma_wait3A_87] : memref<1000000xf32, #tpu.memory_space<hbm>> -> memref<576xf32, #tpu.memory_space<hbm>>
        %dma_wait3A_89 = arith.constant 0 : i32
        %dma_wait3A_90 = tpu.memref_slice %arg17[%dma_wait3A_89] : memref<2048xf32, #tpu.memory_space<vmem>> -> memref<576xf32, #tpu.memory_space<vmem>>
        %dma_wait3A_91 = arith.constant 999424 : i32
        %dma_wait3A_92 = tpu.memref_slice %arg4[%dma_wait3A_91] : memref<1000000xf32, #tpu.memory_space<hbm>> -> memref<576xf32, #tpu.memory_space<hbm>>
        tpu.wait_dma2 semaphore(%run_scoped3A : memref<!tpu.dma_semaphore, #tpu.memory_space<semaphore_mem>>) src(%dma_wait3A_92 : memref<576xf32, #tpu.memory_space<hbm>>) dst(%dma_wait3A_90 : memref<576xf32, #tpu.memory_space<vmem>>)
        tpu.yield
      }) : () -> ()
      %get3A = arith.constant 0 : index
      %get3A_67 = tpu.vector_load %arg22[%get3A] {strides = array<i32>} : memref<16xf32, #tpu.memory_space<vmem>>, vector<16xf32>,
      %get3A_68 = arith.constant 0 : index
      %get3A_69 = tpu.vector_load %arg23[%get3A_68] {strides = array<i32>} : memref<16xf32, #tpu.memory_space<vmem>>, vector<16xf32>,
      %scan3A = arith.constant 0 : i32
      %scan3A_70 = arith.constant 36 : i32
      %scan3A_71 = arith.addi %scan3A, %scan3A_70 : i32
      %scan3A_72 = arith.constant 1 : i32
      %scan3A_73:2 = scf.for %scan3A_79 = %scan3A to %scan3A_71 step %scan3A_72 iter_args(%scan3A_80 = %get3A_67, %scan3A_81 = %get3A_69) -> (vector<16xf32>, vector<16xf32>)  : i32 {
        %mul3A_82 = arith.constant 16 : i32
        %mul3A_83 = arith.muli %scan3A_79, %mul3A_82 : i32
        %get3A_84 = arith.constant 0 : i32
        %get3A_85 = arith.index_cast %get3A_84 : i32 to index
        %get3A_86 = arith.index_cast %mul3A_83 : i32 to index
        %get3A_87 = tpu.vector_load %arg19[%get3A_85, %get3A_86] {strides = array<i32>} : memref<1x576xi32, #tpu.memory_space<vmem>>, vector<16xi32>,
        %mul3A_88 = arith.constant 16 : i32
        %mul3A_89 = arith.muli %scan3A_79, %mul3A_88 : i32
        %get3A_90 = arith.constant 0 : i32
        %get3A_91 = arith.index_cast %get3A_90 : i32 to index
        %get3A_92 = arith.index_cast %mul3A_89 : i32 to index
        %get3A_93 = tpu.vector_load %arg20[%get3A_91, %get3A_92] {strides = array<i32>} : memref<1x576xi32, #tpu.memory_space<vmem>>, vector<16xi32>,
        %mul3A_94 = arith.constant 16 : i32
        %mul3A_95 = arith.muli %scan3A_79, %mul3A_94 : i32
        %get3A_96 = arith.constant 0 : i32
        %get3A_97 = arith.index_cast %get3A_96 : i32 to index
        %get3A_98 = arith.index_cast %mul3A_95 : i32 to index
        %get3A_99 = tpu.vector_load %arg21[%get3A_97, %get3A_98] {strides = array<i32>} : memref<1x576xi32, #tpu.memory_space<vmem>>, vector<16xi32>,
        %gather3A = tpu.vector_load_idx %arg10[%get3A_87] : memref<100000xi32, #tpu.memory_space<vmem>>[vector<16xi32>], vector<16xi32>,
        %gather3A_100 = tpu.vector_load_idx %arg10[%get3A_93] : memref<100000xi32, #tpu.memory_space<vmem>>[vector<16xi32>], vector<16xi32>,
        %gather3A_101 = tpu.vector_load_idx %arg10[%get3A_99] : memref<100000xi32, #tpu.memory_space<vmem>>[vector<16xi32>], vector<16xi32>,
        %shift_left3A = arith.constant 16 : i32
        %shift_left3A_102 = vector.broadcast %shift_left3A : i32 to vector<16xi32>
        %shift_left3A_103 = arith.shli %gather3A, %shift_left3A_102 : vector<16xi32>
        %bitcast3A = vector.bitcast %shift_left3A_103 : vector<16xi32> to vector<16xf32>
        %and3A_104 = arith.constant -65536 : i32
        %and3A_105 = vector.broadcast %and3A_104 : i32 to vector<16xi32>
        %and3A_106 = arith.andi %gather3A, %and3A_105 : vector<16xi32>
        %bitcast3A_107 = vector.bitcast %and3A_106 : vector<16xi32> to vector<16xf32>
        %shift_left3A_108 = arith.constant 16 : i32
        %shift_left3A_109 = vector.broadcast %shift_left3A_108 : i32 to vector<16xi32>
        %shift_left3A_110 = arith.shli %gather3A_100, %shift_left3A_109 : vector<16xi32>
        %bitcast3A_111 = vector.bitcast %shift_left3A_110 : vector<16xi32> to vector<16xf32>
        %and3A_112 = arith.constant -65536 : i32
        %and3A_113 = vector.broadcast %and3A_112 : i32 to vector<16xi32>
        %and3A_114 = arith.andi %gather3A_100, %and3A_113 : vector<16xi32>
        %bitcast3A_115 = vector.bitcast %and3A_114 : vector<16xi32> to vector<16xf32>
        %shift_left3A_116 = arith.constant 16 : i32
        %shift_left3A_117 = vector.broadcast %shift_left3A_116 : i32 to vector<16xi32>
        %shift_left3A_118 = arith.shli %gather3A_101, %shift_left3A_117 : vector<16xi32>
        %bitcast3A_119 = vector.bitcast %shift_left3A_118 : vector<16xi32> to vector<16xf32>
        %and3A_120 = arith.constant -65536 : i32
        %and3A_121 = vector.broadcast %and3A_120 : i32 to vector<16xi32>
        %and3A_122 = arith.andi %gather3A_101, %and3A_121 : vector<16xi32>
        %bitcast3A_123 = vector.bitcast %and3A_122 : vector<16xi32> to vector<16xf32>
        %sub3A_124 = arith.subf %bitcast3A, %bitcast3A_111 : vector<16xf32>
        %sub3A_125 = arith.subf %bitcast3A_107, %bitcast3A_115 : vector<16xf32>
        %sub3A_126 = arith.subf %bitcast3A, %bitcast3A_119 : vector<16xf32>
        %sub3A_127 = arith.subf %bitcast3A_107, %bitcast3A_123 : vector<16xf32>
        %mul3A_128 = arith.mulf %sub3A_124, %sub3A_124 : vector<16xf32>
        %mul3A_129 = arith.mulf %sub3A_125, %sub3A_125 : vector<16xf32>
        %add3A_130 = arith.addf %mul3A_128, %mul3A_129 : vector<16xf32>
        %add3A_131 = arith.constant 1.000000e+00 : f32
        %add3A_132 = vector.broadcast %add3A_131 : f32 to vector<16xf32>
        %add3A_133 = arith.addf %add3A_132, %add3A_130 : vector<16xf32>
        %mul3A_134 = arith.mulf %sub3A_126, %sub3A_126 : vector<16xf32>
        %mul3A_135 = arith.mulf %sub3A_127, %sub3A_127 : vector<16xf32>
        %add3A_136 = arith.addf %mul3A_134, %mul3A_135 : vector<16xf32>
        %add3A_137 = arith.constant 1.000000e+00 : f32
        %add3A_138 = vector.broadcast %add3A_137 : f32 to vector<16xf32>
        %add3A_139 = arith.addf %add3A_138, %add3A_136 : vector<16xf32>
        %mul3A_140 = arith.constant 16 : i32
        %mul3A_141 = arith.muli %scan3A_79, %mul3A_140 : i32
        %get3A_142 = arith.index_cast %mul3A_141 : i32 to index
        %get3A_143 = tpu.vector_load %arg17[%get3A_142] {strides = array<i32>} : memref<2048xf32, #tpu.memory_space<vmem>>, vector<16xf32>,
        %mul3A_144 = arith.mulf %get3A_143, %add3A_133 : vector<16xf32>
        %add3A_145 = arith.addf %add3A_133, %add3A_139 : vector<16xf32>
        %div3A_146 = arith.divf %mul3A_144, %add3A_145 : vector<16xf32>
        %add3A_147 = arith.addf %scan3A_80, %div3A_146 : vector<16xf32>
        %gt3A_148 = arith.cmpf ogt, %add3A_133, %add3A_139 : vector<16xf32>
        %jit3A_149 = arith.constant 1.000000e+00 : f32
        %jit3A_150 = arith.constant 0.000000e+00 : f32
        %broadcast_in_dim3A_151 = vector.broadcast %jit3A_149 : f32 to vector<16xf32>
        %broadcast_in_dim3A_152 = vector.broadcast %jit3A_150 : f32 to vector<16xf32>
        %select_n3A_153 = arith.select %gt3A_148, %broadcast_in_dim3A_151, %broadcast_in_dim3A_152 : vector<16xi1>, vector<16xf32>
        %add3A_154 = arith.addf %scan3A_81, %select_n3A_153 : vector<16xf32>
        scf.yield %add3A_147, %add3A_154 : vector<16xf32>, vector<16xf32>
      }
      %scan3A_74 = arith.constant 36 : i32
      %swap3A_75 = arith.constant 0 : index
      %swap3A_76 = tpu.vector_load %arg22[%swap3A_75] {strides = array<i32>} : memref<16xf32, #tpu.memory_space<vmem>>, vector<16xf32>,
      tpu.vector_store %arg22[%swap3A_75], %scan3A_73#0 {strides = array<i32>} : memref<16xf32, #tpu.memory_space<vmem>>, vector<16xf32>,
      %swap3A_77 = arith.constant 0 : index
      %swap3A_78 = tpu.vector_load %arg23[%swap3A_77] {strides = array<i32>} : memref<16xf32, #tpu.memory_space<vmem>>, vector<16xf32>,
      tpu.vector_store %arg23[%swap3A_77], %scan3A_73#1 {strides = array<i32>} : memref<16xf32, #tpu.memory_space<vmem>>, vector<16xf32>,
    } else {
    }
    "tpu.region"() ({
      %run_scoped3A = tpu.sem_alloc : memref<!tpu.dma_semaphore, #tpu.memory_space<semaphore_mem>>
      %dma_start3A = arith.constant 0 : i32
      %dma_start3A_67 = tpu.memref_slice %arg8[%add3A, %dma_start3A] : memref<32x16xf32, #tpu.memory_space<hbm>> -> memref<1x16xf32, #tpu.memory_space<hbm>>
      %dma_start3A_68 = tpu.memref_squeeze %dma_start3A_67 : memref<1x16xf32, #tpu.memory_space<hbm>> -> memref<16xf32, #tpu.memory_space<hbm>>
      %dma_start3A_69 = arith.constant 0 : i32
      %dma_start3A_70 = tpu.memref_slice %arg8[%add3A, %dma_start3A_69] : memref<32x16xf32, #tpu.memory_space<hbm>> -> memref<1x16xf32, #tpu.memory_space<hbm>>
      %dma_start3A_71 = tpu.memref_squeeze %dma_start3A_70 : memref<1x16xf32, #tpu.memory_space<hbm>> -> memref<16xf32, #tpu.memory_space<hbm>>
      tpu.enqueue_dma source(%arg22 : memref<16xf32, #tpu.memory_space<vmem>>) target(%dma_start3A_71 : memref<16xf32, #tpu.memory_space<hbm>>) target_semaphore(%run_scoped3A : memref<!tpu.dma_semaphore, #tpu.memory_space<semaphore_mem>>)
      %dma_wait3A = arith.constant 0 : i32
      %dma_wait3A_72 = tpu.memref_slice %arg8[%add3A, %dma_wait3A] : memref<32x16xf32, #tpu.memory_space<hbm>> -> memref<1x16xf32, #tpu.memory_space<hbm>>
      %dma_wait3A_73 = tpu.memref_squeeze %dma_wait3A_72 : memref<1x16xf32, #tpu.memory_space<hbm>> -> memref<16xf32, #tpu.memory_space<hbm>>
      %dma_wait3A_74 = arith.constant 0 : i32
      %dma_wait3A_75 = tpu.memref_slice %arg8[%add3A, %dma_wait3A_74] : memref<32x16xf32, #tpu.memory_space<hbm>> -> memref<1x16xf32, #tpu.memory_space<hbm>>
      %dma_wait3A_76 = tpu.memref_squeeze %dma_wait3A_75 : memref<1x16xf32, #tpu.memory_space<hbm>> -> memref<16xf32, #tpu.memory_space<hbm>>
      tpu.wait_dma2 semaphore(%run_scoped3A : memref<!tpu.dma_semaphore, #tpu.memory_space<semaphore_mem>>) src(%arg22 : memref<16xf32, #tpu.memory_space<vmem>>) dst(%dma_wait3A_76 : memref<16xf32, #tpu.memory_space<hbm>>)
      tpu.yield
    }) : () -> ()
    "tpu.region"() ({
      %run_scoped3A = tpu.sem_alloc : memref<!tpu.dma_semaphore, #tpu.memory_space<semaphore_mem>>
      %dma_start3A = arith.constant 0 : i32
      %dma_start3A_67 = tpu.memref_slice %arg9[%add3A, %dma_start3A] : memref<32x16xf32, #tpu.memory_space<hbm>> -> memref<1x16xf32, #tpu.memory_space<hbm>>
      %dma_start3A_68 = tpu.memref_squeeze %dma_start3A_67 : memref<1x16xf32, #tpu.memory_space<hbm>> -> memref<16xf32, #tpu.memory_space<hbm>>
      %dma_start3A_69 = arith.constant 0 : i32
      %dma_start3A_70 = tpu.memref_slice %arg9[%add3A, %dma_start3A_69] : memref<32x16xf32, #tpu.memory_space<hbm>> -> memref<1x16xf32, #tpu.memory_space<hbm>>
      %dma_start3A_71 = tpu.memref_squeeze %dma_start3A_70 : memref<1x16xf32, #tpu.memory_space<hbm>> -> memref<16xf32, #tpu.memory_space<hbm>>
      tpu.enqueue_dma source(%arg23 : memref<16xf32, #tpu.memory_space<vmem>>) target(%dma_start3A_71 : memref<16xf32, #tpu.memory_space<hbm>>) target_semaphore(%run_scoped3A : memref<!tpu.dma_semaphore, #tpu.memory_space<semaphore_mem>>)
      %dma_wait3A = arith.constant 0 : i32
      %dma_wait3A_72 = tpu.memref_slice %arg9[%add3A, %dma_wait3A] : memref<32x16xf32, #tpu.memory_space<hbm>> -> memref<1x16xf32, #tpu.memory_space<hbm>>
      %dma_wait3A_73 = tpu.memref_squeeze %dma_wait3A_72 : memref<1x16xf32, #tpu.memory_space<hbm>> -> memref<16xf32, #tpu.memory_space<hbm>>
      %dma_wait3A_74 = arith.constant 0 : i32
      %dma_wait3A_75 = tpu.memref_slice %arg9[%add3A, %dma_wait3A_74] : memref<32x16xf32, #tpu.memory_space<hbm>> -> memref<1x16xf32, #tpu.memory_space<hbm>>
      %dma_wait3A_76 = tpu.memref_squeeze %dma_wait3A_75 : memref<1x16xf32, #tpu.memory_space<hbm>> -> memref<16xf32, #tpu.memory_space<hbm>>
      tpu.wait_dma2 semaphore(%run_scoped3A : memref<!tpu.dma_semaphore, #tpu.memory_space<semaphore_mem>>) src(%arg23 : memref<16xf32, #tpu.memory_space<vmem>>) dst(%dma_wait3A_76 : memref<16xf32, #tpu.memory_space<hbm>>)
      tpu.yield
    }) : () -> ()
    return
  }
}

</mosaic_0001>

<sc_bundles>
// kernel: kernel.3.cloned.1.call-start
scs
__scs_entry_jumppad:
0x0: {  	(pc) =	sbr.rel $0x88, $3  }
0x1: {  	(tag) =	ssettag $0x0;
	lr =	simm.s32 $0x1  }
0x2: {  	[smem:$0x3F9E] =	sst lr;
	_ =	strace $0xD0000000  }
0x3: {  	_ = 	snop  }
0x4: {  	_ = 	snop  }
0x5: {  	_ = 	snop  }
0x6: {  	_ = 	snop  }
0x7: {  	_ = 	snop  }
__scs_overlays_trampoline_lowered:
0x8: {  	[smem:$0x3FAD] =	sst s0  }
0x9: {  	[smem:$0x3FAE] =	sst s1  }
0xa: {  	[smem:$0x3FAF] =	sst s2  }
0xb: {  	[smem:$0x3FB0] =	sst s3  }
0xc: {  	[smem:$0x3FB1] =	sst s4  }
0xd: {  	[smem:$0x3FB2] =	sst s5  }
0xe: {  	[smem:$0x3FB3] =	sst s6  }
0xf: {  	[smem:$0x3FB4] =	sst s7  }
0x10: {  	[smem:$0x3FB5] =	sst s8  }
0x11: {  	[smem:$0x3FB6] =	sst s9;
	s0 =	simm.s32 @!p0 $0x0  }
0x12: {  	s1 =	sld [smem:$0x3F9C];
	s0 =	simm.s32 @p0 $0x1  }
0x13: {  	[smem:$0x3FB7] =	sst s0;
	s0 =	simm.s32 @!p1 $0x0  }
0x14: {  	s2 =	sld [smem:$0x3F9B];
	s0 =	simm.s32 @p1 $0x1  }
0x15: {  	[smem:$0x3FB8] =	sst s0;
	s0 =	simm.s32 @!p2 $0x0  }
0x16: {  	s3 =	sld [smem:$0x3FDB];
	s0 =	simm.s32 @p2 $0x1  }
0x17: {  	s4 =	simm.s32 $0x1BF5;
	[smem:$0x3FBA] =	sst s0  }
0x18: {  	s0 =	sld [smem:$0x3F9D];
	_ =	swait.ge [sflag:s4], $0x0  }
0x19: {  	s7 =	sld [smem:$0x3F9E]  }
0x1a: {  	s8 =	sadd.s32 $0xFFFFE003, lr  }
0x1b: {  	s9 =	sadd.s32 $0xFFFFFEF7, lr;
	s5 =	simm.s32 $0xFFFFFFFF;
	p2 =	slt.u32 s8, $0xFFFFF086  }
0x1c: {  	p1 =	slt.u32 s9, $0xF7A;
	s5 =	simm.s32 @!p2 $0x0  }
0x1d: {  	s5 =	simm.s32 @p1 $0x1;
	p0 =	seq.s32 s7, s2  }
0x1e: {  	s7 =	smul.u32 @!p0 $0xF7A, s2;
	p2 =	seq.s32 @!p0 s5, $0x0  }
0x1f: {  	s9 =	smul.u32 $0xF7A, s1;
	s8 =	simm.s32 @!p0 $0x1BF5;
	p2 =	por !p2, p0  }
0x20: {  	[sflag:s8] =	ssyncset.s32 @!p0 $0xFFFFF086;
	s6 =	sadd.s32 @!p0 s3, s7;
	s7 =	simm.s32 @!p0 $0x108  }
0x21: {  	s3 =	sadd.s32 s3, s9;
	s6 =	sadd.s32 @!p0 $0x88, s6;
	s7 =	simm.s32 @p2 $0x1082  }
0x22: {  	[simem:s7], [sflag:s8] =	dma.local @!p0 [hbm:s6], $0xF7A  }
0x23: {  	s9 =	sor.u32 $0xD0000000, s2;
	s6 =	simm.s32 $0x108;
	_ =	swait.ge @!p0 [sflag:s8], $0x0  }
0x24: {  	s3 =	sadd.s32 $0x88, s3;
	s6 =	simm.s32 @!p1 $0x1082;
	[sflag:s4] =	ssyncset.s32 $0xFFFFF086  }
0x25: {  	[simem:s6], [sflag:s4] =	dma.local [hbm:s3], $0xF7A  }
0x26: {  	[smem:$0x3F9E] =	sst s1;
	(tag) =	ssettag s2;
	_ =	strace s9  }
0x27: {  	s1 =	sld [smem:$0x3FAE]  }
0x28: {  	s2 =	sld [smem:$0x3FAF]  }
0x29: {  	s4 =	sld [smem:$0x3FB1]  }
0x2a: {  	p0 =	seq.s32 s5, $0x0;
	s5 =	sld [smem:$0x3FB2]  }
0x2b: {  	s6 =	sld [smem:$0x3FB3]  }
0x2c: {  	s7 =	sld [smem:$0x3FB4]  }
0x2d: {  	s3 =	simm.s32 $0x108;
	s8 =	sld [smem:$0x3FB5]  }
0x2e: {  	s3 =	simm.s32 @!p0 $0x1082;
	s9 =	sld [smem:$0x3FB6]  }
0x2f: {  	lr =	sadd.s32 s0, s3;
	s0 =	sld [smem:$0x3FAD]  }
0x30: {  	s3 =	sld [smem:$0x3FB0]  }
0x31: {  	[smem:$0x3FB9] =	sst s10  }
0x32: {  	s10 =	sld [smem:$0x3FB7];
	_ =	sdelay $0x3  }
0x33: {  	p0 =	seq.s32 s10, $0x1;
	s10 =	sld [smem:$0x3FB9];
	_ =	sdelay $0x3  }
0x34: {  	[smem:$0x3FB9] =	sst s10  }
0x35: {  	s10 =	sld [smem:$0x3FB8];
	_ =	sdelay $0x3  }
0x36: {  	p1 =	seq.s32 s10, $0x1;
	s10 =	sld [smem:$0x3FB9];
	_ =	sdelay $0x3  }
0x37: {  	[smem:$0x3FB9] =	sst s10  }
0x38: {  	s10 =	sld [smem:$0x3FBA]  }
0x39: {  	_ = 	snop;
	(pc) =	sbr.ind lr, $3  }
0x3a: {  	_ = 	snop  }
0x3b: {  	_ = 	snop  }
0x3c: {  	p2 =	seq.s32 s10, $0x1;
	s10 =	sld [smem:$0x3FB9]  }
0x3d: {  	_ =	shalt  }
0x3e: {  	_ =	shalt  }
0x3f: {  	_ =	shalt  }
0x40: {  	_ =	shalt  }
0x41: {  	_ =	shalt  }
0x42: {  	_ =	shalt  }
0x43: {  	_ =	shalt  }
0x44: {  	_ =	shalt  }
0x45: {  	_ =	shalt  }
0x46: {  	_ =	shalt  }
0x47: {  	_ =	shalt  }
0x48: {  	_ =	shalt  }
0x49: {  	_ =	shalt  }
0x4a: {  	_ =	shalt  }
0x4b: {  	_ =	shalt  }
0x4c: {  	_ =	shalt  }
0x4d: {  	_ =	shalt  }
0x4e: {  	_ =	shalt  }
0x4f: {  	_ =	shalt  }
0x50: {  	_ =	shalt  }
0x51: {  	_ =	shalt  }
0x52: {  	_ =	shalt  }
0x53: {  	_ =	shalt  }
0x54: {  	_ =	shalt  }
0x55: {  	_ =	shalt  }
0x56: {  	_ =	shalt  }
0x57: {  	_ =	shalt  }
0x58: {  	_ =	shalt  }
0x59: {  	_ =	shalt  }
0x5a: {  	_ =	shalt  }
0x5b: {  	_ =	shalt  }
0x5c: {  	_ =	shalt  }
0x5d: {  	_ =	shalt  }
0x5e: {  	_ =	shalt  }
0x5f: {  	_ =	shalt  }
0x60: {  	_ =	shalt  }
0x61: {  	_ =	shalt  }
0x62: {  	_ =	shalt  }
0x63: {  	_ =	shalt  }
0x64: {  	_ =	shalt  }
0x65: {  	_ =	shalt  }
0x66: {  	_ =	shalt  }
0x67: {  	_ =	shalt  }
0x68: {  	_ =	shalt  }
0x69: {  	_ =	shalt  }
0x6a: {  	_ =	shalt  }
0x6b: {  	_ =	shalt  }
0x6c: {  	_ =	shalt  }
0x6d: {  	_ =	shalt  }
0x6e: {  	_ =	shalt  }
0x6f: {  	_ =	shalt  }
0x70: {  	_ =	shalt  }
0x71: {  	_ =	shalt  }
0x72: {  	_ =	shalt  }
0x73: {  	_ =	shalt  }
0x74: {  	_ =	shalt  }
0x75: {  	_ =	shalt  }
0x76: {  	_ =	shalt  }
0x77: {  	_ =	shalt  }
0x78: {  	_ =	shalt  }
0x79: {  	_ =	shalt  }
0x7a: {  	_ =	shalt  }
0x7b: {  	_ =	shalt  }
0x7c: {  	_ =	shalt  }
0x7d: {  	_ =	shalt  }
0x7e: {  	_ =	shalt  }
0x7f: {  	_ =	shalt  }
0x80: {  	_ =	shalt  }
0x81: {  	_ =	shalt  }
0x82: {  	_ =	shalt  }
0x83: {  	_ =	shalt  }
0x84: {  	_ =	shalt  }
0x85: {  	_ =	shalt  }
0x86: {  	_ =	shalt  }
0x87: {  	_ =	shalt  }
.Lfunc_end0:
.L_simem_size_0:
called_computation_lowered:
.L_overlay_start_0:
0x88: {  	s2 =	sld [smem:$0x3FD9]  }
0x89: {  	s3 =	sld [smem:$0x3FFE];
	_ =	sdelay $0x1  }
0x8a: {  	s1 =	srdreg.scid  }
0x8b: {  	s0 =	sand.u32 $0x1, s1  }
0x8c: {  	s17 =	sshll.u32 s0, $0xA;
	s2 =	sadd.s32 s3, s2  }
0x8d: {  	s2 =	sadd.s32 s2, s17  }
0x8e: {  	[smem:$0x3FC5] =	sst s2  }
0x8f: {  	_ = 	snop  }
0x90: {  	s2 =	sld [smem:$0x3FC8]  }
0x91: {  	s18 =	sld [smem:$0x3FC7];
	(tm) =	ssettm $0x1  }
0x92: {  	s4 =	sld [smem:$0x3FFB];
	_ =	sdelay $0x3  }
0x93: {  	_ =	strace s4  }
0x94: {  	s4 =	sld [smem:$0x3FFC];
	_ =	sdelay $0x3  }
0x95: {  	_ =	strace s4  }
0x96: {  	s4 =	sld [smem:$0x3FFD];
	_ =	sdelay $0x3  }
0x97: {  	_ =	strace s4  }
0x98: {  	_ =	strace $0x8FFFFFFF  }
0x99: {  	s19 =	sld [smem:$0x3FDB];
	_ =	sdelay $0x1  }
0x9a: {  	s5 =	simm.s32 $_scs_section_size  }
0x9b: {  	s6 =	simm.s32 $_size__tile_overlayer_lowered;
	s7 =	simm.s32 $_tile_overlayer_lowered  }
0x9c: {  	s22 =	simm.s32 $0x1BFF;
	s21 =	sshll.u32 s7, $0x1;
	s4 =	sadd.s32 s5, s19  }
0x9d: {  	s8 =	simm.s32 $0x0;
	s20 =	sshll.u32 s6, $0x1;
	s6 =	sadd.s32 s21, s4  }
0x9e: {  	[timem:s8], [sflag:s22] =	dma.local [hbm:s6], s20  }
0x9f: {  	_ =	swait.ge [sflag:s22], s20  }
0xa0: {  	s5 =	ssub.s32 $0x0, s20;
	[sflag:s22] =	ssyncset.done $0x0  }
0xa1: {  	[sflag:s22] =	ssyncadd.s32 s5;
	_ =	sdelay $0x1  }
0xa2: {  	s23 =	simm.s32 $0x1B8B  }
0xa3: {  	_ =	swait.ge [sflag:s23], $0x1  }
0xa4: {  	[sflag:s23] =	ssyncset.done $0x0  }
0xa5: {  	s25 =	simm.s32 $0x1B8E;
	s24 =	sld [smem:$0x3FFE];
	[sflag:s23] =	ssyncadd.s32 $0xFFFFFFFF  }
0xa6: {  	s26 =	simm.s32 $execute0_lowered;
	[smem:$0x3FD2] =	sst s25  }
0xa7: {  	s6 =	sshll.u32 s26, $0x1;
	_ =	strace $0x80000046;
	[dreg:$0x1] =	wrdreg $0xFFFFFFFF  }
0xa8: {  	s28 =	simm.s32 $_size_execute0_lowered;
	s4 =	sadd.s32 s4, s6;
	[dreg:$0x0] =	wrdreg $0x0  }
0xa9: {  	s6 =	sshll.u32 s28, $0x1;
	[dreg:$0x2] =	wrdreg s4  }
0xaa: {  	[dreg:$0x3] =	wrdreg s6  }
0xab: {  	[dreg:$0x4] =	wrdreg $0xC0  }
0xac: {  	_ =	task [dreg:s8], $0x5FFFF  }
0xad: {  	[dreg:$0x1] =	wrdreg $0xFFFFFFFF  }
0xae: {  	[dreg:$0x0] =	wrdreg $0x60  }
0xaf: {  	[dreg:$0x2] =	wrdreg s24  }
0xb0: {  	[dreg:$0x3] =	wrdreg s2  }
0xb1: {  	[dreg:$0x4] =	wrdreg s18  }
0xb2: {  	[dreg:$0x5] =	wrdreg $0x9  }
0xb3: {  	_ =	task.clear_ibuf [dreg:s8], $0x6FFFF;
	_ =	strace $0x90000046  }
0xb4: {  	s29 =	simm.s32 $0x9;
	_ =	strace $0x80000048  }
0xb5: {  	_ =	swait.ge [sflag:s29], $0x1  }
0xb6: {  	[sflag:s29] =	ssyncadd.s32 $0xFFFFFFFF  }
0xb7: {  	_ =	strace $0x90000048  }
0xb8: {  	_ =	sfence  }
0xb9: {  	s30 =	sld [smem:$0x0];
	_ =	sdelay $0x2  }
0xba: {  	s31 =	sshll.u32 s1, $0xD;
	s1 =	sshrl.u32 s1, $0x2  }
0xbb: {  	s3 =	sand.u32 $0x4000, s31;
	s1 =	sadd.s32 s1, s30  }
0xbc: {  	s0 =	sor.u32 s3, s0;
	s1 =	sshll.u32 s1, $0x11  }
0xbd: {  	s0 =	sor.u32 s1, s0  }
0xbe: {  	s0 =	sadd.s32 $0x8F2B, s0  }
0xbf: {  	[sflag:s0] =	ssyncadd.remote.s32 $0x1  }
0xc0: {  	_ =	sfence.sel $0xFFFF  }
0xc1: {  	[dreg:$0x0] =	wrdreg $0xFFFFFFFF;
	(pc) =	sbr.abs _section_cstart, $3  }
0xc2: {  	[dreg:$0x1] =	wrdreg $0xFFFFFFFF  }
0xc3: {  	_ =	task.clear_ibuf [dreg:s8], $0x2FFFF;
	_ =	strace $0x9FFFFFFF  }
0xc4: {  	(tm) =	ssettm $0x7FFFFFFF  }
0xc5: {  	_ =	shalt  }
tec
execute0_lowered:
.L_overlay_start_1:
0x0: {  	(tag) =	ssettag $0x1  }
0x1: {  	s2 =	rddreg [dreg:$0x0]  }
0x2: {  	s0 =	srdreg.scid;
	s3 =	rddreg [dreg:$0x1]  }
0x3: {  	s1 =	stileid.u32;
	s5 =	rddreg [dreg:$0x2];
	s6 =	simm.s32 $0x0  }
0x4: {  	s22 =	simm.s32 $0x1;
	s28 =	simm.s32 $0x3;
	s29 =	simm.s32 $0x2  }
0x5: {  	s0 =	sand.u32 $0x1, s0;
	s1 =	sshll.u32 s1, $0x1;
	[smem:$0x7FF] =	sst s6  }
0x6: {  	s25 =	sadd.s32 $0x3600, s2;
	s26 =	sadd.s32 $0x3400, s2;
	s30 =	sadd.s32 $0x3200, s2  }
0x7: {  	s1 =	sor.u32 s0, s1;
	_ =	strace $0x80000047;
	[dreg:$0x4] =	wrdreg s25  }
0x8: {  	s12 =	sadd.s32 $0x10, s3;
	[dreg:$0x5] =	wrdreg s26;
	s4 =	sshll.u32 s1, $0xF  }
0x9: {  	s13 =	sadd.s32 $0x20, s3;
	[dreg:$0x6] =	wrdreg s30;
	s7 =	ssub.s32 $0xF4240, s4  }
0xa: {  	s0 =	ssub.s32 $0x2, s0;
	s31 =	sshll.u32 s1, $0x4;
	s8 =	sshra.s32 s7, $0x1F  }
0xb: {  	s23 =	sshrl.u32 s0, $0x1;
	s24 =	sshll.u32 s1, $0xE;
	s9 =	sshrl.u32 s8, $0x15  }
0xc: {  	s25 =	sshll.u32 s1, $0x8;
	s26 =	sshll.u32 s1, $0xC;
	s7 =	sadd.s32 s9, s7  }
0xd: {  	s2 =	sadd.s32 s31, s2;
	s0 =	ssub.s32 s0, s23;
	s7 =	sshra.s32 s7, $0xB  }
0xe: {  	s11 =	sadd.s32 s3, s24;
	s14 =	sadd.s32 s24, s12;
	s7 =	sadd.s32 s8, s7  }
0xf: {  	s15 =	sadd.s32 s24, s13;
	s16 =	sadd.s32 s5, s26;
	p1 =	sgt.s32 s7, $0x0  }
0x10: {  	s31 =	sadd.s32 $0x1E800, s5;
	p0 =	slt.s32 s7, $0x1;
	s7 =	simm.s32 @!p1 $0x0  }
0x11: {  	s23 =	sadd.s32 $0x3800, s2;
	s24 =	sadd.s32 $0x3A00, s2;
	s10 =	smin.u32 s7, $0x10  }
0x12: {  	[dreg:$0x7] =	wrdreg s31;
	s9 =	simm.s32 $0x1;
	s17 =	sand.u32 $0x1, s10  }
0x13: {  	s7 =	sor.u32 $0x10, s25;
	s25 =	smax.u32 s0, $0x1;
	p6 =	seq.s32 s17, $0x1  }
.Ltmp0:
0x14: {  	s30 =	sshll.u32 s7, $0x6;
	p1 =	por !p0, !p6;
	(pc) =	sbr.rel .LBB2_1-.Ltmp0, $4  }
0x15: {  	s7 =	sshll.u32 s7, $0x4;
	s21 =	sshrl.u32 s10, $0x1;
	p1 =	por !p1, !p1  }
0x16: {  	s17 =	sadd.s32 s3, s30;
	s18 =	sadd.s32 s30, s12;
	s9 =	simm.s32 @!p1 $0x0  }
0x17: {  	s19 =	sadd.s32 s30, s13;
	s20 =	sadd.s32 s5, s7;
	s21 =	ssub.s32 s21, s9  }
0x18: {  	v0 =	vimm.f32 $0.0e+00;
	p1 =	sne.s32 s1, $0x1E;
	s1 =	simm.s32 $0x0;
	p2 =	slt.s32 s21, $0x1  }
.LBB2_11:
0x19: {  	s0 =	simm.s32 $0x1CE80  }
0x1a: {  	[hbm4b:s23+s6] =	stream.linear.scatter [tilespmem:s0], [sflag:$0x3], $0x80, $0x38;
	[tilespmem:$0x1CF80] =	vst v63  }
0x1b: {  	s1 =	sadd.s32 $0x1, s1;
	_ =	swait.ge [sflag:s28], $0x80  }
0x1c: {  	p3 =	sne.s32 s1, s25;
	[sflag:s28] =	ssyncset.done $0x0  }
.Ltmp1:
0x1d: {  	s31 =	simm.s32 $0x1CF00;
	[sflag:s28] =	ssyncadd.s32 $0xFFFFFF80;
	(pc) =	sbr.rel @!p3 .LBB2_12-.Ltmp1, $4  }
0x1e: {  	[hbm4b:s24+s6] =	stream.linear.scatter [tilespmem:s31], [sflag:$0x3], $0x80, $0x38;
	[tilespmem:$0x1CF80] =	vst v63  }
0x1f: {  	_ =	swait.ge [sflag:s28], $0x80  }
0x20: {  	[sflag:s28] =	ssyncset.done $0x0  }
0x21: {  	[sflag:s28] =	ssyncadd.s32 $0xFFFFFF80  }
.LBB2_1:
0x22: {  	s0 =	simm.s32 @!p0 $0x80;
	s7 =	simm.s32 @!p0 $0x200;
	s8 =	simm.s32 @!p0 $0x18700  }
0x23: {  	[tilespmem:s8], [sflag:$0x1] =	stream.strided.gather @!p0 [hbm4b:s11+s0], $0x800, s7, s0, $0x38;
	[tilespmem:$0x1CF80] =	vst v63  }
0x24: {  	s8 =	simm.s32 @!p0 $0x19700  }
0x25: {  	[tilespmem:s8], [sflag:$0x1] =	stream.strided.gather @!p0 [hbm4b:s14+s0], $0x800, s7, s0, $0x38;
	[tilespmem:$0x1CF80] =	vst v63  }
0x26: {  	s8 =	simm.s32 @!p0 $0x1A700  }
0x27: {  	[tilespmem:s8], [sflag:$0x1] =	stream.strided.gather @!p0 [hbm4b:s15+s0], $0x800, s7, s0, $0x38;
	[tilespmem:$0x1CF80] =	vst v63  }
0x28: {  	s9 =	simm.s32 @!p0 $0x1B700;
	s8 =	simm.s32 @!p0 $0x0  }
0x29: {  	[tilespmem:s9], [sflag:$0x1] =	stream.linear.gather @!p0 [hbm4b:s16+s8], $0x800, $0x38;
	[tilespmem:$0x1CF80] =	vst v63  }
0x2a: {  	s9 =	simm.s32 @!p0 $0x18F00  }
0x2b: {  	[tilespmem:s9], [sflag:$0x2] =	stream.strided.gather @!p0 [hbm4b:s17+s0], $0x800, s7, s0, $0x38;
	[tilespmem:$0x1CF80] =	vst v63  }
0x2c: {  	s9 =	simm.s32 @!p0 $0x19F00  }
0x2d: {  	[tilespmem:s9], [sflag:$0x2] =	stream.strided.gather @!p0 [hbm4b:s18+s0], $0x800, s7, s0, $0x38;
	[tilespmem:$0x1CF80] =	vst v63  }
0x2e: {  	s9 =	simm.s32 @!p0 $0x1AF00  }
0x2f: {  	[tilespmem:s9], [sflag:$0x2] =	stream.strided.gather @!p0 [hbm4b:s19+s0], $0x800, s7, s0, $0x38;
	[tilespmem:$0x1CF80] =	vst v63  }
0x30: {  	s0 =	simm.s32 @!p0 $0x1BF00  }
0x31: {  	[tilespmem:s0], [sflag:$0x2] =	stream.linear.gather @!p0 [hbm4b:s20+s8], $0x800, $0x38;
	[tilespmem:$0x1CF80] =	vst v63  }
.Ltmp2:
0x32: {  	s31 =	rddreg [dreg:$0x0];
	(pc) =	sbr.rel @p2 .LBB2_7-.Ltmp2, $4  }
0x33: {  	[tilespmem:s6], [sflag:$0x3] =	stream.linear.gather [hbm4b:s31+s6], $0x18700, $0x38;
	[tilespmem:$0x1CF80] =	vst v63  }
0x34: {  	_ =	swait.ge [sflag:s28], $0x18700  }
0x35: {  	[sflag:s28] =	ssyncset.done $0x0  }
0x36: {  	v1 =	vimm.f32 $0.0e+00;
	v2 =	vimm.f32 $0.0e+00;
	s0 =	simm.s32 $0x0;
	[sflag:s28] =	ssyncadd.s32 $0xFFFE7900  }
.LBB2_2:
0x37: {  	_ =	swait.ge [sflag:s22], $0x800  }
0x38: {  	[sflag:s22] =	ssyncset.done $0x0  }
0x39: {  	[sflag:s22] =	ssyncadd.s32 $0xFFFFF800  }
0x3a: {  	_ =	swait.ge [sflag:s22], $0x800  }
0x3b: {  	[sflag:s22] =	ssyncset.done $0x0  }
0x3c: {  	s7 =	sshll.u32 s0, $0x1;
	[sflag:s22] =	ssyncadd.s32 $0xFFFFF800  }
0x3d: {  	s8 =	sadd.s32 $0x2, s7;
	_ =	swait.ge [sflag:s22], $0x800  }
0x3e: {  	p3 =	sge.u32 s8, s10;
	[sflag:s22] =	ssyncset.done $0x0  }
0x3f: {  	s8 =	sshll.u32 @!p3 s8, $0xB;
	[sflag:s22] =	ssyncadd.s32 $0xFFFFF800  }
0x40: {  	s30 =	simm.s32 @!p3 $0x80;
	s8 =	sadd.s32 @!p3 s4, s8;
	_ =	swait.ge [sflag:s22], $0x800  }
0x41: {  	s31 =	simm.s32 @!p3 $0x200;
	s9 =	sshrl.u32 @!p3 s8, $0x1;
	[sflag:s22] =	ssyncset.done $0x0  }
0x42: {  	s2 =	simm.s32 @!p3 $0x18700;
	s26 =	sadd.s32 @!p3 s3, s9;
	[sflag:s22] =	ssyncadd.s32 $0xFFFFF800  }
0x43: {  	[tilespmem:s2], [sflag:$0x1] =	stream.strided.gather @!p3 [hbm4b:s26+s30], $0x800, s31, s30, $0x38;
	[tilespmem:$0x1CF80] =	vst v63  }
0x44: {  	s2 =	sadd.s32 @!p3 s9, s12;
	s26 =	simm.s32 @!p3 $0x19700  }
0x45: {  	[tilespmem:s26], [sflag:$0x1] =	stream.strided.gather @!p3 [hbm4b:s2+s30], $0x800, s31, s30, $0x38;
	[tilespmem:$0x1CF80] =	vst v63  }
0x46: {  	s2 =	sadd.s32 @!p3 s9, s13;
	s9 =	simm.s32 @!p3 $0x1A700  }
0x47: {  	[tilespmem:s9], [sflag:$0x1] =	stream.strided.gather @!p3 [hbm4b:s2+s30], $0x800, s31, s30, $0x38;
	[tilespmem:$0x1CF80] =	vst v63  }
0x48: {  	s26 =	simm.s32 $0x18720;
	s2 =	sshrl.u32 @!p3 s8, $0x3  }
0x49: {  	s8 =	simm.s32 @!p3 $0x0;
	s9 =	simm.s32 @!p3 $0x1B700;
	s2 =	sadd.s32 @!p3 s5, s2  }
0x4a: {  	[tilespmem:s9], [sflag:$0x1] =	stream.linear.gather @!p3 [hbm4b:s2+s8], $0x800, $0x38;
	[tilespmem:$0x1CF80] =	vst v63  }
0x4b: {  	s9 =	simm.s32 $0x19720;
	v3 =	vld [tilespmem:s26+$0x10]  }
0x4c: {  	s30 =	simm.s32 $0x1A720;
	v4 =	vld [tilespmem:s9+$0x10]  }
0x4d: {  	v5 =	vld [tilespmem:s30+$0x10]  }
0x4e: {  	v6 =	vld [tilespmem:s26+$0x0]  }
0x4f: {  	v7 =	vld [tilespmem:s9+$0x0]  }
0x50: {  	v8 =	vld [tilespmem:s30+$0x0]  }
0x51: {  	v9 =	vld [tilespmem:s26+$0xFFFFFFF0]  }
0x52: {  	v10 =	vld [tilespmem:s9+$0xFFFFFFF0]  }
0x53: {  	v11 =	vld [tilespmem:s30+$0xFFFFFFF0]  }
0x54: {  	v12 =	vld [tilespmem:s26+$0xFFFFFFE0]  }
0x55: {  	v14 =	vld [tilespmem:s9+$0xFFFFFFE0]  }
0x56: {  	v22 =	vld [tilespmem:s30+$0xFFFFFFE0]  }
0x57: {  	v3 =	vld.idx.msk [tilespmem:v3+s6+$0x0], $0xffff  }
0x58: {  	v4 =	vld.idx.msk [tilespmem:v4+s6+$0x0], $0xffff  }
0x59: {  	v5 =	vld.idx.msk [tilespmem:v5+s6+$0x0], $0xffff  }
0x5a: {  	v6 =	vld.idx.msk [tilespmem:v6+s6+$0x0], $0xffff  }
0x5b: {  	v7 =	vld.idx.msk [tilespmem:v7+s6+$0x0], $0xffff  }
0x5c: {  	v15 =	vld.idx.msk [tilespmem:v8+s6+$0x0], $0xffff  }
0x5d: {  	v9 =	vld.idx.msk [tilespmem:v9+s6+$0x0], $0xffff  }
0x5e: {  	v10 =	vld.idx.msk [tilespmem:v10+s6+$0x0], $0xffff  }
0x5f: {  	v25 =	vld.idx.msk [tilespmem:v11+s6+$0x0], $0xffff  }
0x60: {  	v12 =	vld.idx.msk [tilespmem:v12+s6+$0x0], $0xffff;
	v26 =	vshll.u32 v3, $0x10;
	v8 =	vand.u32 $0xFFFF0000, v3;
	v3 =	vshll.u32 v4, $0x10  }
0x61: {  	v4 =	vand.u32 $0xFFFF0000, v4;
	v27 =	vshll.u32 v5, $0x10;
	v13 =	vand.u32 $0xFFFF0000, v5  }
0x62: {  	v23 =	vld.idx.msk [tilespmem:v14+s6+$0x0], $0xffff;
	v11 =	vshll.u32 v6, $0x10;
	v5 =	vand.u32 $0xFFFF0000, v6;
	v19 =	vshll.u32 v7, $0x10  }
0x63: {  	v16 =	vand.u32 $0xFFFF0000, v7;
	v17 =	vshll.u32 v15, $0x10;
	v6 =	vand.u32 $0xFFFF0000, v15  }
0x64: {  	v24 =	vld.idx.msk [tilespmem:v22+s6+$0x0], $0xffff;
	v14 =	vshll.u32 v9, $0x10;
	v7 =	vand.u32 $0xFFFF0000, v9;
	v20 =	vshll.u32 v10, $0x10  }
0x65: {  	s8 =	simm.s32 $0x1B720;
	v21 =	vand.u32 $0xFFFF0000, v10;
	v18 =	vshll.u32 v25, $0x10;
	v15 =	vshll.u32 v12, $0x10  }
0x66: {  	v12 =	vand.u32 $0xFFFF0000, v12;
	v9 =	vand.u32 $0xFFFF0000, v25;
	v22 =	vsub.f32 v26, v3;
	v3 =	vld [tilespmem:s8+$0x0]  }
0x67: {  	s31 =	simm.s32 $0x0;
	s26 =	simm.s32 $0x18760;
	v25 =	vsub.f32 v8, v4;
	v10 =	vsub.f32 v26, v27;
	v26 =	vshll.u32 v23, $0x10;
	v4 =	vld [tilespmem:s8+$0xFFFFFFE0]  }
.LBB2_3:
0x68: {  	v27 =	vld [tilespmem:s26+$0x10];
	v23 =	vand.u32 $0xFFFF0000, v23;
	v19 =	vsub.f32 v11, v19;
	v8 =	vsub.f32 v8, v13;
	s9 =	sadd.s32 $0x40, s9  }
0x69: {  	v28 =	vshll.u32 v24, $0x10;
	v16 =	vsub.f32 v5, v16;
	v11 =	vsub.f32 v11, v17;
	s30 =	sadd.s32 $0x40, s30;
	v13 =	vld [tilespmem:s9+$0x10]  }
0x6a: {  	v24 =	vand.u32 $0xFFFF0000, v24;
	v20 =	vsub.f32 v14, v20;
	v21 =	vsub.f32 v7, v21;
	v17 =	vld [tilespmem:s30+$0x10]  }
0x6b: {  	v26 =	vsub.f32 v15, v26;
	v14 =	vsub.f32 v14, v18;
	v18 =	vmul.f32 v22, v22;
	v29 =	vld [tilespmem:s26+$0x0]  }
0x6c: {  	v25 =	vmul.f32 v25, v25;
	v23 =	vsub.f32 v12, v23;
	v19 =	vmul.f32 v19, v19;
	v22 =	vld [tilespmem:s9+$0x0]  }
0x6d: {  	v15 =	vsub.f32 v15, v28;
	v20 =	vmul.f32 v20, v20;
	v16 =	vmul.f32 v16, v16;
	v30 =	vld [tilespmem:s30+$0x0]  }
0x6e: {  	v12 =	vsub.f32 v12, v24;
	v21 =	vmul.f32 v21, v21;
	v14 =	vmul.f32 v14, v14;
	v28 =	vld [tilespmem:s26+$0xFFFFFFF0]  }
0x6f: {  	v7 =	vsub.f32 v7, v9;
	v26 =	vmul.f32 v26, v26;
	v23 =	vmul.f32 v23, v23;
	v24 =	vld [tilespmem:s9+$0xFFFFFFF0]  }
0x70: {  	v5 =	vsub.f32 v5, v6;
	v15 =	vmul.f32 v15, v15;
	v12 =	vmul.f32 v12, v12;
	v9 =	vld [tilespmem:s30+$0xFFFFFFF0]  }
0x71: {  	v7 =	vmul.f32 v7, v7;
	v18 =	vadd.f32 v25, v18;
	v16 =	vadd.f32 v16, v19;
	v6 =	vld.idx.msk [tilespmem:v27+s6+$0x0], $0xffff  }
0x72: {  	v11 =	vmul.f32 v11, v11;
	v23 =	vadd.f32 v23, v26;
	v12 =	vadd.f32 v12, v15;
	v19 =	vld [tilespmem:s26+$0xFFFFFFE0]  }
0x73: {  	v5 =	vmul.f32 v5, v5;
	v7 =	vadd.f32 v7, v14;
	v15 =	vadd.f32 v21, v20;
	v13 =	vld.idx.msk [tilespmem:v13+s6+$0x0], $0xffff  }
0x74: {  	v10 =	vmul.f32 v10, v10;
	v23 =	vadd.f32 $1.000000000e+00, v23;
	v25 =	vadd.f32 $1.000000000e+00, v12;
	v14 =	vld.idx.msk [tilespmem:v17+s6+$0x0], $0xffff  }
0x75: {  	v8 =	vmul.f32 v8, v8;
	v5 =	vadd.f32 v5, v11;
	v26 =	vadd.f32 $1.000000000e+00, v15;
	v12 =	vld.idx.msk [tilespmem:v29+s6+$0x0], $0xffff  }
0x76: {  	v11 =	vadd.f32 v25, v23;
	v15 =	vld.idx.msk [tilespmem:v22+s6+$0x0], $0xffff;
	v22 =	vadd.f32 $1.000000000e+00, v7  }
0x77: {  	v10 =	vadd.f32 v8, v10;
	v29 =	vadd.f32 $1.000000000e+00, v16;
	v27 =	vshll.u32 v6, $0x10;
	v7 =	vld.idx.msk [tilespmem:v30+s6+$0x0], $0xffff  }
0x78: {  	v20 =	vld.idx.msk [tilespmem:v28+s6+$0x0], $0xffff;
	v16 =	vadd.f32 v22, v26;
	v28 =	vadd.f32 $1.000000000e+00, v5;
	(erf) = vrcp.f32 v11  }
0x79: {  	v31 =	vadd.f32 $1.000000000e+00, v18;
	v8 =	vand.u32 $0xFFFF0000, v6;
	v30 =	vshll.u32 v13, $0x10;
	v21 =	vld.idx.msk [tilespmem:v24+s6+$0x0], $0xffff  }
0x7a: {  	v10 =	vadd.f32 $1.000000000e+00, v10;
	v9 =	vld.idx.msk [tilespmem:v9+s6+$0x0], $0xffff;
	v5 =	vadd.f32 v28, v29;
	(erf) = vrcp.f32 v16  }
0x7b: {  	v32 =	vand.u32 $0xFFFF0000, v13;
	v33 =	vshll.u32 v14, $0x10;
	v13 =	vand.u32 $0xFFFF0000, v14;
	v24 =	vld.idx.msk [tilespmem:v19+s6+$0x0], $0xffff  }
0x7c: {  	v14 =	vadd.f32 v10, v31;
	v11 =	vshll.u32 v12, $0x10;
	v34 =	vld [tilespmem:s9+$0xFFFFFFE0];
	(erf) = vrcp.f32 v5  }
0x7d: {  	v19 =	vshll.u32 v15, $0x10;
	v16 =	vand.u32 $0xFFFF0000, v15;
	v5 =	vand.u32 $0xFFFF0000, v12;
	v35 =	vld [tilespmem:s8+$0xFFFFFFF0]  }
0x7e: {  	v17 =	vshll.u32 v7, $0x10;
	v6 =	vand.u32 $0xFFFF0000, v7;
	v36 =	vld [tilespmem:s30+$0xFFFFFFE0];
	(erf) = vrcp.f32 v14  }
0x7f: {  	v7 =	vand.u32 $0xFFFF0000, v20;
	v14 =	vshll.u32 v20, $0x10;
	v20 =	vshll.u32 v21, $0x10  }
0x80: {  	v4 =	vmul.f32 v23, v4;
	v21 =	vand.u32 $0xFFFF0000, v21;
	v18 =	vshll.u32 v9, $0x10;
	v37 =	vld [tilespmem:s8+$0x10]  }
0x81: {  	v9 =	vand.u32 $0xFFFF0000, v9;
	v15 =	vshll.u32 v24, $0x10;
	v12 =	vand.u32 $0xFFFF0000, v24;
	v24 =	vpop (erf)  }
0x82: {  	s31 =	sadd.s32 $0x4, s31;
	vm0 =	vgt.f32 v23, v25;
	v4 =	vmul.f32 v24, v4;
	v24 =	vmul.f32 v26, v35  }
0x83: {  	p3 =	slt.u32 s31, $0x7C;
	v25 =	vsel vm0, $0x3F800000, v0;
	v3 =	vmul.f32 v29, v3;
	vm0 =	vgt.f32 v26, v22;
	v22 =	vpop (erf)  }
0x84: {  	v1 =	vadd.f32 v25, v1;
	v23 =	vld.idx.msk [tilespmem:v34+s6+$0x0], $0xffff;
	v2 =	vadd.f32 v4, v2;
	v4 =	vmul.f32 v22, v24  }
0x85: {  	v22 =	vsel vm0, $0x3F800000, v0;
	vm0 =	vgt.f32 v29, v28;
	v25 =	vmul.f32 v31, v37;
	v26 =	vpop (erf)  }
.Ltmp3:
0x86: {  	v1 =	vadd.f32 v22, v1;
	v24 =	vld.idx.msk [tilespmem:v36+s6+$0x0], $0xffff;
	v2 =	vadd.f32 v4, v2;
	v3 =	vmul.f32 v26, v3;
	(pc) =	sbr.rel @p3 .LBB2_3-.Ltmp3, $4  }
0x87: {  	v22 =	vsub.f32 v27, v30;
	v4 =	vsel vm0, $0x3F800000, v0;
	vm0 =	vgt.f32 v31, v10;
	v10 =	vpop (erf)  }
0x88: {  	s8 =	sadd.s32 $0x40, s8;
	v1 =	vadd.f32 v4, v1;
	v2 =	vadd.f32 v3, v2;
	v28 =	vmul.f32 v10, v25  }
0x89: {  	v25 =	vsub.f32 v8, v32;
	v10 =	vsub.f32 v27, v33;
	v27 =	vsel vm0, $0x3F800000, v0;
	v3 =	vld [tilespmem:s8+$0x0]  }
0x8a: {  	s26 =	sadd.s32 $0x40, s26;
	v26 =	vshll.u32 v23, $0x10;
	v1 =	vadd.f32 v27, v1;
	v4 =	vld [tilespmem:s8+$0xFFFFFFE0];
	v2 =	vadd.f32 v28, v2  }
0x8b: {  	v23 =	vand.u32 $0xFFFF0000, v23;
	v19 =	vsub.f32 v11, v19;
	v8 =	vsub.f32 v8, v13  }
0x8c: {  	v13 =	vshll.u32 v24, $0x10;
	v16 =	vsub.f32 v5, v16;
	v11 =	vsub.f32 v11, v17  }
0x8d: {  	v17 =	vand.u32 $0xFFFF0000, v24;
	v20 =	vsub.f32 v14, v20;
	v21 =	vsub.f32 v7, v21  }
0x8e: {  	v24 =	vsub.f32 v15, v26;
	v14 =	vsub.f32 v14, v18;
	v18 =	vmul.f32 v22, v22  }
0x8f: {  	v7 =	vsub.f32 v7, v9;
	v5 =	vsub.f32 v5, v6;
	v10 =	vmul.f32 v10, v10  }
0x90: {  	v22 =	vsub.f32 v12, v23;
	v23 =	vmul.f32 v25, v25;
	v19 =	vmul.f32 v19, v19  }
0x91: {  	v13 =	vsub.f32 v15, v13;
	v15 =	vmul.f32 v20, v20;
	v16 =	vmul.f32 v16, v16  }
0x92: {  	v12 =	vsub.f32 v12, v17;
	v17 =	vmul.f32 v21, v21;
	v14 =	vmul.f32 v14, v14  }
0x93: {  	v20 =	vmul.f32 v24, v24;
	v6 =	vmul.f32 v7, v7  }
0x94: {  	v11 =	vmul.f32 v11, v11;
	v5 =	vmul.f32 v5, v5  }
0x95: {  	v8 =	vmul.f32 v8, v8;
	v21 =	vmul.f32 v22, v22  }
0x96: {  	v9 =	vmul.f32 v13, v13;
	v13 =	vadd.f32 v23, v18;
	v7 =	vadd.f32 v16, v19  }
0x97: {  	v12 =	vmul.f32 v12, v12;
	v6 =	vadd.f32 v6, v14;
	v5 =	vadd.f32 v5, v11  }
0x98: {  	v8 =	vadd.f32 v8, v10;
	v16 =	vadd.f32 v21, v20  }
0x99: {  	v9 =	vadd.f32 v12, v9;
	v12 =	vadd.f32 v17, v15  }
0x9a: {  	v13 =	vadd.f32 $1.000000000e+00, v13;
	v6 =	vadd.f32 $1.000000000e+00, v6  }
0x9b: {  	v14 =	vadd.f32 $1.000000000e+00, v16;
	v9 =	vadd.f32 $1.000000000e+00, v9  }
0x9c: {  	v7 =	vadd.f32 $1.000000000e+00, v7;
	v12 =	vadd.f32 $1.000000000e+00, v12  }
0x9d: {  	v5 =	vadd.f32 $1.000000000e+00, v5;
	v11 =	vadd.f32 v9, v14  }
0x9e: {  	v8 =	vadd.f32 $1.000000000e+00, v8;
	v10 =	vadd.f32 v6, v12  }
0x9f: {  	(erf) = vrcp.f32 v11;
	v11 =	vadd.f32 v5, v7  }
0xa0: {  	(erf) = vrcp.f32 v10;
	v10 =	vadd.f32 v8, v13  }
0xa1: {  	(erf) = vrcp.f32 v11  }
0xa2: {  	(erf) = vrcp.f32 v10;
	_ =	sdelay $0x5  }
0xa3: {  	v10 =	vpop (erf)  }
0xa4: {  	v11 =	vpop (erf)  }
0xa5: {  	v16 =	vpop (erf)  }
0xa6: {  	v15 =	vld [tilespmem:s8+$0xFFFFFFF0];
	v18 =	vpop (erf)  }
0xa7: {  	v17 =	vld [tilespmem:s8+$0x10];
	_ =	swait.ge [sflag:s29], $0x800  }
0xa8: {  	[sflag:s29] =	ssyncset.done $0x0  }
0xa9: {  	[sflag:s29] =	ssyncadd.s32 $0xFFFFF800  }
0xaa: {  	_ =	swait.ge [sflag:s29], $0x800  }
0xab: {  	[sflag:s29] =	ssyncset.done $0x0  }
0xac: {  	[sflag:s29] =	ssyncadd.s32 $0xFFFFF800  }
0xad: {  	s2 =	sadd.s32 $0x3, s7;
	_ =	swait.ge [sflag:s29], $0x800  }
0xae: {  	p3 =	sge.u32 s2, s10;
	[sflag:s29] =	ssyncset.done $0x0  }
0xaf: {  	s2 =	sshll.u32 @!p3 s2, $0xB;
	[sflag:s29] =	ssyncadd.s32 $0xFFFFF800  }
0xb0: {  	s9 =	simm.s32 @!p3 $0x80;
	s2 =	sadd.s32 @!p3 s4, s2;
	_ =	swait.ge [sflag:s29], $0x800  }
0xb1: {  	s26 =	simm.s32 @!p3 $0x200;
	s7 =	sshrl.u32 @!p3 s2, $0x1;
	[sflag:s29] =	ssyncset.done $0x0  }
0xb2: {  	s30 =	simm.s32 @!p3 $0x18F00;
	s8 =	sadd.s32 @!p3 s3, s7;
	[sflag:s29] =	ssyncadd.s32 $0xFFFFF800  }
0xb3: {  	[tilespmem:s30], [sflag:$0x2] =	stream.strided.gather @!p3 [hbm4b:s8+s9], $0x800, s26, s9, $0x38;
	[tilespmem:$0x1CF80] =	vst v63  }
0xb4: {  	s31 =	simm.s32 $0x18F20;
	s8 =	sadd.s32 @!p3 s7, s12;
	s30 =	simm.s32 @!p3 $0x19F00  }
0xb5: {  	[tilespmem:s30], [sflag:$0x2] =	stream.strided.gather @!p3 [hbm4b:s8+s9], $0x800, s26, s9, $0x38;
	[tilespmem:$0x1CF80] =	vst v63  }
0xb6: {  	s2 =	sshrl.u32 @!p3 s2, $0x3;
	s7 =	sadd.s32 @!p3 s7, s13;
	s8 =	simm.s32 @!p3 $0x1AF00  }
0xb7: {  	[tilespmem:s8], [sflag:$0x2] =	stream.strided.gather @!p3 [hbm4b:s7+s9], $0x800, s26, s9, $0x38;
	[tilespmem:$0x1CF80] =	vst v63  }
0xb8: {  	s2 =	sadd.s32 @!p3 s5, s2;
	s7 =	simm.s32 @!p3 $0x0;
	s8 =	simm.s32 @!p3 $0x1BF00  }
0xb9: {  	[tilespmem:s8], [sflag:$0x2] =	stream.linear.gather @!p3 [hbm4b:s2+s7], $0x800, $0x38;
	[tilespmem:$0x1CF80] =	vst v63  }
0xba: {  	s7 =	simm.s32 $0x19F20;
	v19 =	vld [tilespmem:s31+$0x10]  }
0xbb: {  	s8 =	simm.s32 $0x1AF20;
	v20 =	vld [tilespmem:s7+$0x10]  }
0xbc: {  	v21 =	vld [tilespmem:s8+$0x10]  }
0xbd: {  	v22 =	vld [tilespmem:s31+$0x0]  }
0xbe: {  	v23 =	vld [tilespmem:s7+$0x0]  }
0xbf: {  	v24 =	vld [tilespmem:s8+$0x0]  }
0xc0: {  	v25 =	vld [tilespmem:s31+$0xFFFFFFF0]  }
0xc1: {  	v26 =	vld [tilespmem:s7+$0xFFFFFFF0]  }
0xc2: {  	v27 =	vld [tilespmem:s8+$0xFFFFFFF0]  }
0xc3: {  	v28 =	vld [tilespmem:s31+$0xFFFFFFE0]  }
0xc4: {  	v3 =	vmul.f32 v7, v3;
	vm14 =	vgt.f32 v7, v5;
	v4 =	vmul.f32 v14, v4;
	v7 =	vld [tilespmem:s7+$0xFFFFFFE0]  }
0xc5: {  	v19 =	vld.idx.msk [tilespmem:v19+s6+$0x0], $0xffff  }
0xc6: {  	vm0 =	vgt.f32 v14, v9;
	v9 =	vmul.f32 v12, v15;
	v4 =	vmul.f32 v10, v4;
	v20 =	vld.idx.msk [tilespmem:v20+s6+$0x0], $0xffff  }
0xc7: {  	vm13 =	vgt.f32 v12, v6;
	v14 =	vsel vm0, $0x3F800000, v0;
	v10 =	vld.idx.msk [tilespmem:v21+s6+$0x0], $0xffff  }
0xc8: {  	v1 =	vadd.f32 v14, v1;
	v2 =	vadd.f32 v4, v2;
	v4 =	vmul.f32 v11, v9;
	v6 =	vld.idx.msk [tilespmem:v22+s6+$0x0], $0xffff  }
0xc9: {  	v5 =	vmul.f32 v13, v17;
	v11 =	vsel vm13, $0x3F800000, v0;
	v9 =	vld.idx.msk [tilespmem:v23+s6+$0x0], $0xffff  }
0xca: {  	v3 =	vmul.f32 v16, v3;
	v1 =	vadd.f32 v11, v1;
	v2 =	vadd.f32 v4, v2;
	v4 =	vld.idx.msk [tilespmem:v24+s6+$0x0], $0xffff  }
0xcb: {  	vm15 =	vgt.f32 v13, v8;
	v11 =	vsel vm14, $0x3F800000, v0;
	v22 =	vld [tilespmem:s8+$0xFFFFFFE0]  }
0xcc: {  	v2 =	vadd.f32 v3, v2;
	v3 =	vadd.f32 v11, v1;
	v1 =	vmul.f32 v18, v5;
	v12 =	vld.idx.msk [tilespmem:v25+s6+$0x0], $0xffff  }
0xcd: {  	v5 =	vsel vm15, $0x3F800000, v0;
	v15 =	vld.idx.msk [tilespmem:v26+s6+$0x0], $0xffff  }
0xce: {  	v1 =	vadd.f32 v1, v2;
	v2 =	vadd.f32 v5, v3;
	v3 =	vld.idx.msk [tilespmem:v27+s6+$0x0], $0xffff  }
0xcf: {  	v27 =	vld.idx.msk [tilespmem:v28+s6+$0x0], $0xffff;
	v26 =	vshll.u32 v19, $0x10;
	v8 =	vand.u32 $0xFFFF0000, v19;
	v25 =	vshll.u32 v20, $0x10  }
0xd0: {  	v63 =	vand.u32 $0xFFFF0000, v20;
	v29 =	vshll.u32 v10, $0x10;
	v13 =	vand.u32 $0xFFFF0000, v10  }
0xd1: {  	v23 =	vld.idx.msk [tilespmem:v7+s6+$0x0], $0xffff;
	v11 =	vshll.u32 v6, $0x10;
	v5 =	vand.u32 $0xFFFF0000, v6;
	v19 =	vshll.u32 v9, $0x10  }
0xd2: {  	v16 =	vand.u32 $0xFFFF0000, v9;
	v17 =	vshll.u32 v4, $0x10;
	v6 =	vand.u32 $0xFFFF0000, v4  }
0xd3: {  	v14 =	vshll.u32 v12, $0x10;
	v7 =	vand.u32 $0xFFFF0000, v12;
	v20 =	vshll.u32 v15, $0x10;
	v24 =	vld.idx.msk [tilespmem:v22+s6+$0x0], $0xffff  }
0xd4: {  	s9 =	simm.s32 $0x1BF20;
	v21 =	vand.u32 $0xFFFF0000, v15;
	v18 =	vshll.u32 v3, $0x10;
	v15 =	vshll.u32 v27, $0x10  }
0xd5: {  	v12 =	vand.u32 $0xFFFF0000, v27;
	v9 =	vand.u32 $0xFFFF0000, v3;
	v3 =	vld [tilespmem:s9+$0x0];
	v10 =	vsub.f32 v26, v29  }
0xd6: {  	s30 =	simm.s32 $0x0;
	s26 =	simm.s32 $0x18F60;
	v4 =	vld [tilespmem:s9+$0xFFFFFFE0];
	v22 =	vsub.f32 v26, v25;
	v25 =	vsub.f32 v8, v63;
	v26 =	vshll.u32 v23, $0x10  }
.LBB2_5:
0xd7: {  	v27 =	vld [tilespmem:s26+$0x10];
	v23 =	vand.u32 $0xFFFF0000, v23;
	v19 =	vsub.f32 v11, v19;
	v8 =	vsub.f32 v8, v13;
	s7 =	sadd.s32 $0x40, s7  }
0xd8: {  	v28 =	vshll.u32 v24, $0x10;
	v16 =	vsub.f32 v5, v16;
	v11 =	vsub.f32 v11, v17;
	s8 =	sadd.s32 $0x40, s8;
	v13 =	vld [tilespmem:s7+$0x10]  }
0xd9: {  	v24 =	vand.u32 $0xFFFF0000, v24;
	v20 =	vsub.f32 v14, v20;
	v21 =	vsub.f32 v7, v21;
	v17 =	vld [tilespmem:s8+$0x10]  }
0xda: {  	v26 =	vsub.f32 v15, v26;
	v14 =	vsub.f32 v14, v18;
	v18 =	vmul.f32 v22, v22;
	v29 =	vld [tilespmem:s26+$0x0]  }
0xdb: {  	v25 =	vmul.f32 v25, v25;
	v23 =	vsub.f32 v12, v23;
	v19 =	vmul.f32 v19, v19;
	v22 =	vld [tilespmem:s7+$0x0]  }
0xdc: {  	v15 =	vsub.f32 v15, v28;
	v20 =	vmul.f32 v20, v20;
	v16 =	vmul.f32 v16, v16;
	v30 =	vld [tilespmem:s8+$0x0]  }
0xdd: {  	v12 =	vsub.f32 v12, v24;
	v21 =	vmul.f32 v21, v21;
	v14 =	vmul.f32 v14, v14;
	v28 =	vld [tilespmem:s26+$0xFFFFFFF0]  }
0xde: {  	v7 =	vsub.f32 v7, v9;
	v26 =	vmul.f32 v26, v26;
	v23 =	vmul.f32 v23, v23;
	v24 =	vld [tilespmem:s7+$0xFFFFFFF0]  }
0xdf: {  	v5 =	vsub.f32 v5, v6;
	v15 =	vmul.f32 v15, v15;
	v12 =	vmul.f32 v12, v12;
	v9 =	vld [tilespmem:s8+$0xFFFFFFF0]  }
0xe0: {  	v7 =	vmul.f32 v7, v7;
	v18 =	vadd.f32 v25, v18;
	v16 =	vadd.f32 v16, v19;
	v6 =	vld.idx.msk [tilespmem:v27+s6+$0x0], $0xffff  }
0xe1: {  	v11 =	vmul.f32 v11, v11;
	v23 =	vadd.f32 v23, v26;
	v12 =	vadd.f32 v12, v15;
	v19 =	vld [tilespmem:s26+$0xFFFFFFE0]  }
0xe2: {  	v5 =	vmul.f32 v5, v5;
	v7 =	vadd.f32 v7, v14;
	v15 =	vadd.f32 v21, v20;
	v13 =	vld.idx.msk [tilespmem:v13+s6+$0x0], $0xffff  }
0xe3: {  	v10 =	vmul.f32 v10, v10;
	v23 =	vadd.f32 $1.000000000e+00, v23;
	v25 =	vadd.f32 $1.000000000e+00, v12;
	v14 =	vld.idx.msk [tilespmem:v17+s6+$0x0], $0xffff  }
0xe4: {  	v8 =	vmul.f32 v8, v8;
	v5 =	vadd.f32 v5, v11;
	v26 =	vadd.f32 $1.000000000e+00, v15;
	v12 =	vld.idx.msk [tilespmem:v29+s6+$0x0], $0xffff  }
0xe5: {  	v11 =	vadd.f32 v25, v23;
	v15 =	vld.idx.msk [tilespmem:v22+s6+$0x0], $0xffff;
	v22 =	vadd.f32 $1.000000000e+00, v7  }
0xe6: {  	v10 =	vadd.f32 v8, v10;
	v29 =	vadd.f32 $1.000000000e+00, v16;
	v27 =	vshll.u32 v6, $0x10;
	v7 =	vld.idx.msk [tilespmem:v30+s6+$0x0], $0xffff  }
0xe7: {  	v20 =	vld.idx.msk [tilespmem:v28+s6+$0x0], $0xffff;
	v16 =	vadd.f32 v22, v26;
	v28 =	vadd.f32 $1.000000000e+00, v5;
	(erf) = vrcp.f32 v11  }
0xe8: {  	v31 =	vadd.f32 $1.000000000e+00, v18;
	v8 =	vand.u32 $0xFFFF0000, v6;
	v30 =	vshll.u32 v13, $0x10;
	v21 =	vld.idx.msk [tilespmem:v24+s6+$0x0], $0xffff  }
0xe9: {  	v10 =	vadd.f32 $1.000000000e+00, v10;
	v9 =	vld.idx.msk [tilespmem:v9+s6+$0x0], $0xffff;
	v5 =	vadd.f32 v28, v29;
	(erf) = vrcp.f32 v16  }
0xea: {  	v32 =	vand.u32 $0xFFFF0000, v13;
	v33 =	vshll.u32 v14, $0x10;
	v13 =	vand.u32 $0xFFFF0000, v14;
	v24 =	vld.idx.msk [tilespmem:v19+s6+$0x0], $0xffff  }
0xeb: {  	v14 =	vadd.f32 v10, v31;
	v11 =	vshll.u32 v12, $0x10;
	v34 =	vld [tilespmem:s7+$0xFFFFFFE0];
	(erf) = vrcp.f32 v5  }
0xec: {  	v19 =	vshll.u32 v15, $0x10;
	v16 =	vand.u32 $0xFFFF0000, v15;
	v5 =	vand.u32 $0xFFFF0000, v12;
	v35 =	vld [tilespmem:s9+$0xFFFFFFF0]  }
0xed: {  	v17 =	vshll.u32 v7, $0x10;
	v6 =	vand.u32 $0xFFFF0000, v7;
	v36 =	vld [tilespmem:s8+$0xFFFFFFE0];
	(erf) = vrcp.f32 v14  }
0xee: {  	v7 =	vand.u32 $0xFFFF0000, v20;
	v14 =	vshll.u32 v20, $0x10;
	v20 =	vshll.u32 v21, $0x10  }
0xef: {  	v4 =	vmul.f32 v23, v4;
	v21 =	vand.u32 $0xFFFF0000, v21;
	v18 =	vshll.u32 v9, $0x10;
	v37 =	vld [tilespmem:s9+$0x10]  }
0xf0: {  	v9 =	vand.u32 $0xFFFF0000, v9;
	v15 =	vshll.u32 v24, $0x10;
	v12 =	vand.u32 $0xFFFF0000, v24;
	v24 =	vpop (erf)  }
0xf1: {  	s30 =	sadd.s32 $0x4, s30;
	vm0 =	vgt.f32 v23, v25;
	v4 =	vmul.f32 v24, v4;
	v24 =	vmul.f32 v26, v35  }
0xf2: {  	p3 =	slt.u32 s30, $0x7C;
	v25 =	vsel vm0, $0x3F800000, v0;
	v3 =	vmul.f32 v29, v3;
	vm0 =	vgt.f32 v26, v22;
	v22 =	vpop (erf)  }
0xf3: {  	v2 =	vadd.f32 v25, v2;
	v23 =	vld.idx.msk [tilespmem:v34+s6+$0x0], $0xffff;
	v1 =	vadd.f32 v4, v1;
	v4 =	vmul.f32 v22, v24  }
0xf4: {  	v22 =	vsel vm0, $0x3F800000, v0;
	vm0 =	vgt.f32 v29, v28;
	v25 =	vmul.f32 v31, v37;
	v26 =	vpop (erf)  }
.Ltmp4:
0xf5: {  	v2 =	vadd.f32 v22, v2;
	v24 =	vld.idx.msk [tilespmem:v36+s6+$0x0], $0xffff;
	v1 =	vadd.f32 v4, v1;
	v3 =	vmul.f32 v26, v3;
	(pc) =	sbr.rel @p3 .LBB2_5-.Ltmp4, $4  }
0xf6: {  	v22 =	vsub.f32 v27, v30;
	v4 =	vsel vm0, $0x3F800000, v0;
	vm0 =	vgt.f32 v31, v10;
	v10 =	vpop (erf)  }
0xf7: {  	s9 =	sadd.s32 $0x40, s9;
	v2 =	vadd.f32 v4, v2;
	v1 =	vadd.f32 v3, v1;
	v28 =	vmul.f32 v10, v25  }
0xf8: {  	v25 =	vsub.f32 v8, v32;
	v10 =	vsub.f32 v27, v33;
	v27 =	vsel vm0, $0x3F800000, v0;
	v3 =	vld [tilespmem:s9+$0x0]  }
0xf9: {  	s26 =	sadd.s32 $0x40, s26;
	v26 =	vshll.u32 v23, $0x10;
	v2 =	vadd.f32 v27, v2;
	v4 =	vld [tilespmem:s9+$0xFFFFFFE0];
	v1 =	vadd.f32 v28, v1  }
0xfa: {  	v23 =	vand.u32 $0xFFFF0000, v23;
	v19 =	vsub.f32 v11, v19;
	v8 =	vsub.f32 v8, v13  }
0xfb: {  	v60 =	vshll.u32 v24, $0x10;
	v16 =	vsub.f32 v5, v16;
	v61 =	vsub.f32 v11, v17  }
0xfc: {  	v62 =	vand.u32 $0xFFFF0000, v24;
	v20 =	vsub.f32 v14, v20;
	v21 =	vsub.f32 v7, v21  }
0xfd: {  	v63 =	vsub.f32 v15, v26;
	v28 =	vsub.f32 v14, v18;
	v29 =	vmul.f32 v22, v22  }
0xfe: {  	v31 =	vmul.f32 v25, v25;
	v30 =	vsub.f32 v12, v23;
	v19 =	vmul.f32 v19, v19  }
0xff: {  	v13 =	vsub.f32 v15, v60;
	v32 =	vmul.f32 v20, v20;
	v16 =	vmul.f32 v16, v16  }
0x100: {  	v33 =	vsub.f32 v12, v62;
	v34 =	vmul.f32 v21, v21;
	v14 =	vmul.f32 v28, v28  }
0x101: {  	v37 =	vsub.f32 v7, v9;
	v35 =	vmul.f32 v63, v63;
	v36 =	vmul.f32 v30, v30  }
0x102: {  	v39 =	vsub.f32 v5, v6;
	v38 =	vmul.f32 v13, v13;
	v12 =	vmul.f32 v33, v33  }
0x103: {  	v40 =	vmul.f32 v37, v37;
	v42 =	vadd.f32 v31, v29;
	v41 =	vadd.f32 v16, v19  }
0x104: {  	v11 =	vmul.f32 v61, v61;
	v43 =	vadd.f32 v36, v35;
	v9 =	vadd.f32 v12, v38  }
0x105: {  	v5 =	vmul.f32 v39, v39;
	v44 =	vadd.f32 v34, v32;
	v6 =	vadd.f32 v40, v14  }
0x106: {  	v10 =	vmul.f32 v10, v10;
	v45 =	vadd.f32 $1.000000000e+00, v43;
	v9 =	vadd.f32 $1.000000000e+00, v9  }
0x107: {  	v8 =	vmul.f32 v8, v8;
	v5 =	vadd.f32 v5, v11;
	v12 =	vadd.f32 $1.000000000e+00, v44  }
0x108: {  	v6 =	vadd.f32 $1.000000000e+00, v6;
	v46 =	vadd.f32 v9, v45  }
0x109: {  	v8 =	vadd.f32 v8, v10;
	v7 =	vadd.f32 $1.000000000e+00, v41  }
0x10a: {  	v5 =	vadd.f32 $1.000000000e+00, v5;
	v47 =	vadd.f32 v6, v12;
	(erf) = vrcp.f32 v46  }
0x10b: {  	v48 =	vadd.f32 $1.000000000e+00, v42  }
0x10c: {  	v8 =	vadd.f32 $1.000000000e+00, v8;
	v49 =	vadd.f32 v5, v7;
	(erf) = vrcp.f32 v47;
	_ =	sdelay $0x1  }
0x10d: {  	v50 =	vadd.f32 v8, v48;
	(erf) = vrcp.f32 v49  }
0x10e: {  	v51 =	vld [tilespmem:s9+$0xFFFFFFF0]  }
0x10f: {  	(erf) = vrcp.f32 v50;
	_ =	sdelay $0x1  }
0x110: {  	v52 =	vld [tilespmem:s9+$0x10];
	v4 =	vmul.f32 v45, v4  }
0x111: {  	v53 =	vpop (erf)  }
0x112: {  	v54 =	vmul.f32 v12, v51;
	vm0 =	vgt.f32 v45, v9;
	v4 =	vmul.f32 v53, v4  }
0x113: {  	vm13 =	vgt.f32 v12, v6;
	v3 =	vmul.f32 v7, v3;
	v55 =	vsel vm0, $0x3F800000, v0;
	v56 =	vpop (erf)  }
0x114: {  	s0 =	sadd.s32 $0x1, s0;
	v2 =	vadd.f32 v55, v2;
	v57 =	vmul.f32 v56, v54;
	v1 =	vadd.f32 v4, v1  }
0x115: {  	p3 =	sne.s32 s0, s21;
	v59 =	vmul.f32 v48, v52;
	vm14 =	vgt.f32 v7, v5;
	v58 =	vsel vm13, $0x3F800000, v0;
	v60 =	vpop (erf)  }
.Ltmp5:
0x116: {  	v2 =	vadd.f32 v58, v2;
	v3 =	vmul.f32 v60, v3;
	v1 =	vadd.f32 v57, v1;
	(pc) =	sbr.rel @p3 .LBB2_2-.Ltmp5, $4  }
0x117: {  	vm15 =	vgt.f32 v48, v8;
	v61 =	vsel vm14, $0x3F800000, v0;
	v62 =	vpop (erf)  }
0x118: {  	v1 =	vadd.f32 v3, v1;
	v3 =	vadd.f32 v61, v2;
	v2 =	vmul.f32 v62, v59  }
0x119: {  	v63 =	vsel vm15, $0x3F800000, v0  }
0x11a: {  	v2 =	vadd.f32 v2, v1;
	v1 =	vadd.f32 v63, v3  }
.LBB2_7:
.Ltmp6:
0x11b: {  	(pc) =	sbr.rel @p1 .LBB2_11-.Ltmp6, $3  }
0x11c: {  	_ =	sdelay $0x1  }
0x11d: {  	[tilespmem:$0x1CE80] =	vst v2  }
0x11e: {  	[tilespmem:$0x1CF00] =	vst v1  }
0x11f: {  	s0 =	simm.s32 $0x0;
	s2 =	rddreg [dreg:$0x4];
	s7 =	simm.s32 $0x1C700  }
0x120: {  	[tilespmem:s7], [sflag:$0x3] =	stream.linear.gather [hbm4b:s2+s0], $0x280, $0x38;
	[tilespmem:$0x1CF80] =	vst v63  }
0x121: {  	_ =	swait.ge [sflag:s28], $0x280  }
0x122: {  	[sflag:s28] =	ssyncset.done $0x0  }
0x123: {  	s8 =	simm.s32 $0x1C980;
	s7 =	rddreg [dreg:$0x5];
	[sflag:s28] =	ssyncadd.s32 $0xFFFFFD80  }
0x124: {  	[tilespmem:s8], [sflag:$0x3] =	stream.linear.gather [hbm4b:s7+s0], $0x280, $0x38;
	[tilespmem:$0x1CF80] =	vst v63  }
0x125: {  	_ =	swait.ge [sflag:s28], $0x280  }
0x126: {  	[sflag:s28] =	ssyncset.done $0x0  }
0x127: {  	s26 =	simm.s32 $0x1CC00;
	s9 =	rddreg [dreg:$0x6];
	[sflag:s28] =	ssyncadd.s32 $0xFFFFFD80  }
0x128: {  	[tilespmem:s26], [sflag:$0x3] =	stream.linear.gather [hbm4b:s9+s0], $0x280, $0x38;
	[tilespmem:$0x1CF80] =	vst v63  }
0x129: {  	_ =	swait.ge [sflag:s28], $0x280  }
0x12a: {  	[sflag:s28] =	ssyncset.done $0x0  }
0x12b: {  	s31 =	simm.s32 $0x1B700;
	s30 =	rddreg [dreg:$0x7];
	[sflag:s28] =	ssyncadd.s32 $0xFFFFFD80  }
0x12c: {  	[tilespmem:s31], [sflag:$0x3] =	stream.linear.gather [hbm4b:s30+s0], $0x240, $0x38;
	[tilespmem:$0x1CF80] =	vst v63  }
0x12d: {  	_ =	swait.ge [sflag:s28], $0x240  }
0x12e: {  	[sflag:s28] =	ssyncset.done $0x0  }
0x12f: {  	s26 =	simm.s32 $0x0;
	[sflag:s28] =	ssyncadd.s32 $0xFFFFFDC0  }
0x130: {  	v1 =	vld [tilespmem:s26+$0x1CC00]  }
0x131: {  	v2 =	vld [tilespmem:s26+$0x1C980]  }
0x132: {  	v3 =	vld [tilespmem:s26+$0x1C700]  }
0x133: {  	s0 =	simm.s32 $0x10  }
0x134: {  	v4 =	vld [tilespmem:s0+$0x1CC00]  }
0x135: {  	v6 =	vld [tilespmem:s0+$0x1C700]  }
0x136: {  	s7 =	simm.s32 $0x20;
	v5 =	vld [tilespmem:s0+$0x1C980]  }
0x137: {  	v7 =	vld [tilespmem:s7+$0x1CC00]  }
0x138: {  	v1 =	vld.idx.msk [tilespmem:v1+s6+$0x0], $0xffff  }
0x139: {  	v2 =	vld.idx.msk [tilespmem:v2+s6+$0x0], $0xffff  }
0x13a: {  	v3 =	vld.idx.msk [tilespmem:v3+s6+$0x0], $0xffff  }
0x13b: {  	v8 =	vld [tilespmem:s7+$0x1C980]  }
0x13c: {  	v9 =	vld [tilespmem:s7+$0x1C700]  }
0x13d: {  	v6 =	vld.idx.msk [tilespmem:v6+s6+$0x0], $0xffff  }
0x13e: {  	v5 =	vld.idx.msk [tilespmem:v5+s6+$0x0], $0xffff;
	v10 =	vshll.u32 v1, $0x10;
	v11 =	vshll.u32 v2, $0x10  }
0x13f: {  	s8 =	simm.s32 $0x30;
	v4 =	vld.idx.msk [tilespmem:v4+s6+$0x0], $0xffff;
	v12 =	vshll.u32 v3, $0x10;
	v2 =	vand.u32 $0xFFFF0000, v2;
	v3 =	vand.u32 $0xFFFF0000, v3  }
0x140: {  	v14 =	vld [tilespmem:s8+$0x1CC00];
	v1 =	vand.u32 $0xFFFF0000, v1;
	v11 =	vsub.f32 v12, v11;
	v2 =	vsub.f32 v3, v2  }
0x141: {  	v10 =	vsub.f32 v12, v10;
	v1 =	vsub.f32 v3, v1  }
0x142: {  	v20 =	vld [tilespmem:s8+$0x1C700];
	v15 =	vshll.u32 v6, $0x10;
	v11 =	vmul.f32 v11, v11;
	v2 =	vmul.f32 v2, v2  }
0x143: {  	v3 =	vshll.u32 v5, $0x10;
	v12 =	vld [tilespmem:s8+$0x1C980];
	v10 =	vmul.f32 v10, v10;
	v1 =	vmul.f32 v1, v1  }
0x144: {  	v8 =	vld.idx.msk [tilespmem:v8+s6+$0x0], $0xffff;
	v13 =	vshll.u32 v4, $0x10;
	v6 =	vand.u32 $0xFFFF0000, v6;
	v3 =	vsub.f32 v15, v3  }
0x145: {  	v7 =	vld.idx.msk [tilespmem:v7+s6+$0x0], $0xffff;
	v5 =	vand.u32 $0xFFFF0000, v5;
	v2 =	vadd.f32 v2, v11;
	v1 =	vadd.f32 v1, v10  }
0x146: {  	v4 =	vand.u32 $0xFFFF0000, v4;
	v10 =	vsub.f32 v15, v13;
	v13 =	vld.idx.msk [tilespmem:v9+s6+$0x0], $0xffff;
	v9 =	vsub.f32 v6, v5  }
0x147: {  	v11 =	vld [tilespmem:$0x1CF00];
	v15 =	vmul.f32 v3, v3;
	v16 =	vadd.f32 $1.000000000e+00, v1;
	v3 =	vadd.f32 $1.000000000e+00, v2  }
0x148: {  	s9 =	simm.s32 $0x40;
	v5 =	vld.idx.msk [tilespmem:v14+s6+$0x0], $0xffff;
	v2 =	vsub.f32 v6, v4;
	v4 =	vmul.f32 v9, v9  }
0x149: {  	v18 =	vshll.u32 v8, $0x10;
	v19 =	vand.u32 $0xFFFF0000, v8;
	v9 =	vld [tilespmem:s9+$0x1CC00];
	v8 =	vadd.f32 v16, v3  }
0x14a: {  	v6 =	vmul.f32 v10, v10;
	v10 =	vld [tilespmem:s9+$0x1C980];
	vm0 =	vgt.f32 v3, v16;
	v21 =	vadd.f32 v4, v15  }
0x14b: {  	v12 =	vld.idx.msk [tilespmem:v12+s6+$0x0], $0xffff;
	v4 =	vmul.f32 v2, v2;
	v2 =	vsel vm0, $0x3F800000, v0;
	(erf) = vrcp.f32 v8  }
0x14c: {  	v17 =	vshll.u32 v7, $0x10;
	v14 =	vshll.u32 v13, $0x10;
	v2 =	vadd.f32 v2, v11;
	v11 =	vld [tilespmem:s9+$0x1C700]  }
0x14d: {  	v15 =	vand.u32 $0xFFFF0000, v13;
	v13 =	vsub.f32 v14, v18;
	v6 =	vadd.f32 v4, v6;
	v4 =	vld [tilespmem:s26+$0x1B700]  }
0x14e: {  	v16 =	vand.u32 $0xFFFF0000, v7;
	v8 =	vshll.u32 v5, $0x10;
	v17 =	vsub.f32 v14, v17  }
0x14f: {  	v1 =	vld [tilespmem:$0x1CE80];
	v19 =	vsub.f32 v15, v19;
	v7 =	vadd.f32 $1.000000000e+00, v21;
	v18 =	vmul.f32 v13, v13  }
0x150: {  	s26 =	simm.s32 $0x140;
	v6 =	vadd.f32 $1.000000000e+00, v6;
	v13 =	vld.idx.msk [tilespmem:v20+s6+$0x0], $0xffff;
	v14 =	vshll.u32 v12, $0x10;
	v12 =	vand.u32 $0xFFFF0000, v12  }
.LBB2_9:
0x151: {  	s2 =	sshra.s32 s26, $0x2;
	p3 =	sne.s32 s26, $0x8C0;
	s26 =	sadd.s32 $0x40, s26;
	v20 =	vld.idx.msk [tilespmem:v9+s6+$0x0], $0xffff;
	v15 =	vsub.f32 v15, v16;
	v16 =	vmul.f32 v19, v19;
	v17 =	vmul.f32 v17, v17  }
0x152: {  	v9 =	vld [tilespmem:s2+$0x1CC00];
	v19 =	vadd.f32 v6, v7;
	vm0 =	vgt.f32 v7, v6;
	v4 =	vmul.f32 v3, v4;
	v6 =	vmovc v11  }
0x153: {  	v3 =	vmovc v7;
	v21 =	vld.idx.msk [tilespmem:v10+s6+$0x0], $0xffff;
	v22 =	vadd.f32 v16, v18;
	v18 =	vmul.f32 v15, v15;
	v11 =	vsel vm0, $0x3F800000, v0  }
0x154: {  	v10 =	vld [tilespmem:s2+$0x1C980];
	v2 =	vadd.f32 v11, v2;
	(erf) = vrcp.f32 v19;
	v7 =	vpop (erf)  }
.Ltmp7:
0x155: {  	v19 =	vshll.u32 v13, $0x10;
	v15 =	vand.u32 $0xFFFF0000, v13;
	v11 =	vld [tilespmem:s2+$0x1C700];
	v7 =	vmul.f32 v7, v4;
	(pc) =	sbr.rel @p3 .LBB2_9-.Ltmp7, $4  }
0x156: {  	v16 =	vand.u32 $0xFFFF0000, v5;
	v14 =	vsub.f32 v19, v14;
	v23 =	vadd.f32 v18, v17;
	v4 =	vld [tilespmem:s0+$0x1B700];
	s0 =	smov.u32 s7;
	s7 =	smov.u32 s8;
	s8 =	smov.u32 s9  }
0x157: {  	v17 =	vsub.f32 v19, v8;
	v8 =	vshll.u32 v20, $0x10;
	v5 =	vmovc v20;
	s9 =	smov.u32 s2;
	v1 =	vadd.f32 v7, v1  }
0x158: {  	v19 =	vsub.f32 v15, v12;
	v18 =	vmul.f32 v14, v14;
	v13 =	vld.idx.msk [tilespmem:v6+s6+$0x0], $0xffff;
	v6 =	vadd.f32 $1.000000000e+00, v23  }
0x159: {  	v7 =	vadd.f32 $1.000000000e+00, v22;
	v14 =	vshll.u32 v21, $0x10;
	v12 =	vand.u32 $0xFFFF0000, v21  }
0x15a: {  	_ =	sdelay $0x3  }
0x15b: {  	v9 =	vld.idx.msk [tilespmem:v9+s6+$0x0], $0xffff;
	v15 =	vsub.f32 v15, v16  }
0x15c: {  	v34 =	vmul.f32 v19, v19;
	v17 =	vmul.f32 v17, v17;
	v10 =	vld.idx.msk [tilespmem:v10+s6+$0x0], $0xffff  }
0x15d: {  	v11 =	vld.idx.msk [tilespmem:v11+s6+$0x0], $0xffff;
	v36 =	vadd.f32 v6, v7;
	v15 =	vmul.f32 v15, v15;
	v35 =	vshll.u32 v13, $0x10  }
0x15e: {  	v16 =	vadd.f32 v34, v18;
	v37 =	vand.u32 $0xFFFF0000, v13;
	v14 =	vsub.f32 v35, v14  }
0x15f: {  	v5 =	vand.u32 $0xFFFF0000, v5;
	v15 =	vadd.f32 v15, v17;
	v12 =	vsub.f32 v37, v12  }
0x160: {  	v8 =	vsub.f32 v35, v8;
	v5 =	vsub.f32 v37, v5  }
0x161: {  	v40 =	vadd.f32 $1.000000000e+00, v16;
	v38 =	vshll.u32 v9, $0x10;
	v39 =	vshll.u32 v10, $0x10  }
0x162: {  	v10 =	vand.u32 $0xFFFF0000, v10;
	v41 =	vshll.u32 v11, $0x10;
	v11 =	vand.u32 $0xFFFF0000, v11  }
0x163: {  	v9 =	vand.u32 $0xFFFF0000, v9;
	v14 =	vmul.f32 v14, v14;
	v15 =	vadd.f32 $1.000000000e+00, v15  }
0x164: {  	v12 =	vmul.f32 v12, v12;
	v8 =	vmul.f32 v8, v8;
	v42 =	vsub.f32 v41, v39  }
0x165: {  	v5 =	vmul.f32 v5, v5;
	v10 =	vsub.f32 v11, v10;
	v9 =	vsub.f32 v11, v9  }
0x166: {  	v12 =	vadd.f32 v12, v14;
	v14 =	vsub.f32 v41, v38  }
0x167: {  	v5 =	vadd.f32 v5, v8;
	v43 =	vmul.f32 v42, v42;
	v10 =	vmul.f32 v10, v10  }
0x168: {  	v44 =	vadd.f32 v15, v40;
	v9 =	vmul.f32 v9, v9;
	v14 =	vmul.f32 v14, v14  }
0x169: {  	v5 =	vadd.f32 $1.000000000e+00, v5;
	v12 =	vadd.f32 $1.000000000e+00, v12  }
0x16a: {  	(erf) = vrcp.f32 v36;
	v8 =	vadd.f32 v10, v43;
	v9 =	vadd.f32 v9, v14  }
0x16b: {  	v45 =	vadd.f32 v5, v12  }
0x16c: {  	(erf) = vrcp.f32 v44;
	v8 =	vadd.f32 $1.000000000e+00, v8;
	v9 =	vadd.f32 $1.000000000e+00, v9  }
0x16d: {  	v46 =	vld [tilespmem:s0+$0x1B700]  }
0x16e: {  	(erf) = vrcp.f32 v45;
	v47 =	vadd.f32 v9, v8  }
0x16f: {  	v48 =	vld [tilespmem:s7+$0x1B700];
	v3 =	vmul.f32 v3, v4  }
0x170: {  	v50 =	vld [tilespmem:s8+$0x1B700];
	v49 =	vpop (erf);
	(erf) = vrcp.f32 v47  }
0x171: {  	v3 =	vmul.f32 v49, v3  }
0x172: {  	vm0 =	vgt.f32 v7, v6;
	v51 =	vmul.f32 v7, v46  }
0x173: {  	v53 =	vld [tilespmem:s9+$0x1B700];
	v56 =	vsel vm0, $0x3F800000, v0;
	v1 =	vadd.f32 v3, v1;
	v52 =	vpop (erf)  }
0x174: {  	v54 =	vmul.f32 v40, v48;
	vm13 =	vgt.f32 v40, v15;
	v3 =	vmul.f32 v52, v51  }
0x175: {  	v2 =	vadd.f32 v56, v2;
	v58 =	vsel vm13, $0x3F800000, v0;
	v57 =	vmul.f32 v12, v50;
	v55 =	vpop (erf)  }
0x176: {  	vm14 =	vgt.f32 v12, v5;
	v1 =	vadd.f32 v3, v1;
	v3 =	vmul.f32 v55, v54  }
0x177: {  	v2 =	vadd.f32 v58, v2;
	v62 =	vsel vm14, $0x3F800000, v0;
	v59 =	vpop (erf)  }
0x178: {  	v60 =	vmul.f32 v8, v53;
	v1 =	vadd.f32 v3, v1;
	v3 =	vmul.f32 v59, v57  }
0x179: {  	v2 =	vadd.f32 v62, v2;
	vm15 =	vgt.f32 v8, v9;
	v61 =	vpop (erf)  }
.Ltmp8:
0x17a: {  	v63 =	vsel vm15, $0x3F800000, v0;
	v1 =	vadd.f32 v3, v1;
	v3 =	vmul.f32 v61, v60;
	(pc) =	sbr.rel .LBB2_11-.Ltmp8, $4  }
0x17b: {  	v2 =	vadd.f32 v63, v2  }
0x17c: {  	v1 =	vadd.f32 v3, v1  }
0x17d: {  	[tilespmem:$0x1CF00] =	vst v2  }
0x17e: {  	[tilespmem:$0x1CE80] =	vst v1  }
.LBB2_12:
0x17f: {  	_ =	sfence.sel $0x180000  }
0x180: {  	[bflag:$0x0] =	sbarrier.arrive $0xFFFF  }
0x181: {  	_ =	strace $0x90000047  }
0x182: {  	s0 =	stileid.u32;
	[bflag:$0x2] =	sbarrier.arrive $0xFFFF  }
0x183: {  	p0 =	sne.s32 s0, $0x0;
	s0 =	rddreg [dreg:$0x3]  }
0x184: {  	s0 =	sadd.s32 @!p0 $0x100000, s0  }
0x185: {  	[sflag:s0] =	ssyncadd.tile.s32 @!p0 $0x1;
	_ =	shalt  }
.Lfunc_end2:
_tile_overlayer_lowered:
.L_overlay_start_2:
0x186: {  	(tag) =	ssettag $0x2  }
0x187: {  	s0 =	rddreg [dreg:$0x0];
	s2 =	stileid.u32  }
0x188: {  	s1 =	rddreg [dreg:$0x1];
	p0 =	sne.s32 s2, $0x0  }
0x189: {  	s3 =	rddreg [dreg:$0x2];
	[bflag:$0x3] =	sbarrier.arrive $0xFFFF;
	s2 =	simm.s32 @!p0 $0x1C03  }
0x18a: {  	[timem:s3], [sflag:s2] =	dma.local @!p0 [hbm:s0], s1  }
0x18b: {  	s0 =	simm.s32 @!p0 $0x3  }
0x18c: {  	_ =	swait.ge @!p0 [sflag:s0], s1  }
0x18d: {  	s1 =	ssub.s32 @!p0 $0x0, s1;
	[sflag:s0] =	ssyncset.done @!p0 $0x0  }
0x18e: {  	[sflag:s0] =	ssyncadd.s32 @!p0 s1  }
0x18f: {  	[bflag:$0x3] =	sbarrier.arrive $0xFFFF  }
0x190: {  	_ =	shalt  }

</sc_bundles>
